<compile_context>
chip_gen: v7x
topology: tpu7x:2x2x1
jax: 0.10.2.dev20260603
libtpu: 0.0.44.dev20260713+nightly
codegen_flags: <defaults>
</compile_context>

<pallas_src>
import functools

import jax
import jax.numpy as jnp
from jax import lax
from jax.experimental import pallas as pl
from jax.experimental.pallas import tpu as pltpu
from jax.experimental.pallas import tpu_sc as plsc

B, T, R, C = 16, 64, 128, 81
L = 16
NS = 16
RED = 16.0
LN2 = 0.6931471805599453
SQRT2 = 1.4142135381698608


def _log(x):
    xi = lax.bitcast_convert_type(x, jnp.int32)
    e = ((xi >> 23) & 0xFF) - 127
    m = lax.bitcast_convert_type((xi & 0x007FFFFF) | 0x3F800000, jnp.float32)
    big = m > SQRT2
    m = jnp.where(big, m * 0.5, m)
    ef = (e + jnp.where(big, 1, 0)).astype(jnp.float32)
    t = (m - 1.0) / (m + 1.0)
    t2 = t * t
    p = jnp.float32(1.0 / 9.0)
    p = p * t2 + jnp.float32(1.0 / 7.0)
    p = p * t2 + jnp.float32(0.2)
    p = p * t2 + jnp.float32(1.0 / 3.0)
    p = p * t2 + 1.0
    return 2.0 * t * p + ef * LN2


def _round_ne(y):
    z = y + 0.5
    ti = z.astype(jnp.int32)
    tf = ti.astype(jnp.float32)
    lt = z < tf
    fi = jnp.where(lt, ti - 1, ti)
    f = jnp.where(lt, tf - 1.0, tf)
    tie = f == z
    odd = (fi & 1) == 1
    return jnp.where(tie & odd, f - 1.0, f)


def _body(nms_ref, reg_ref, cls_ref, bb_ref, cid_ref, out_ref,
          nms_v, reg_v, cls_v, bb_v, cid_v, part_v, all_v, out_v, shared,
          sem):
    w = lax.axis_index("s")
    pltpu.sync_copy(nms_ref.at[w], nms_v)
    pltpu.sync_copy(reg_ref.at[w], reg_v)
    pltpu.sync_copy(cls_ref.at[w], cls_v)
    pltpu.sync_copy(bb_ref.at[w], bb_v)
    pltpu.sync_copy(cid_ref.at[w], cid_v)
    iota = lax.iota(jnp.int32, L)
    zf = jnp.zeros((L,), jnp.float32)
    zi = jnp.zeros((L,), jnp.int32)

    def chunk(j, acc):
        a_np, a_cls, a_acc, a_reg = acc
        r_loc = j * L + iota
        r4 = r_loc * 4
        rC = r_loc * C
        pt = plsc.load_gather(nms_v, [r4])
        pl_ = plsc.load_gather(nms_v, [r4 + 1])
        pb = plsc.load_gather(nms_v, [r4 + 2])
        pr = plsc.load_gather(nms_v, [r4 + 3])
        area_p = jnp.maximum(pb - pt, 0.0) * jnp.maximum(pr - pl_, 0.0)

        def t_body(t, c):
            miou, tstar, t4 = c
            btop = plsc.load_gather(bb_v, [t4])
            blft = plsc.load_gather(bb_v, [t4 + 1])
            bbot = plsc.load_gather(bb_v, [t4 + 2])
            brgt = plsc.load_gather(bb_v, [t4 + 3])
            it = jnp.maximum(pt, btop)
            il = jnp.maximum(pl_, blft)
            ib = jnp.minimum(pb, bbot)
            ir = jnp.minimum(pr, brgt)
            inter = jnp.maximum(ib - it, 0.0) * jnp.maximum(ir - il, 0.0)
            ab = jnp.maximum(bbot - btop, 0.0) * jnp.maximum(brgt - blft, 0.0)
            iou = inter / jnp.maximum(area_p + ab - inter, 1e-8)
            upd = iou >= miou
            return (jnp.where(upd, iou, miou), jnp.where(upd, t4, tstar),
                    t4 + 4)

        miou, t4star, _ = lax.fori_loop(0, T, t_body, (zf - 1.0, zi, zi),
                                        unroll=8)
        tstar = lax.shift_right_arithmetic(t4star, 2)
        mask = miou > 0.7

        tb0 = plsc.load_gather(bb_v, [t4star])
        tb1 = plsc.load_gather(bb_v, [t4star + 1])
        tb2 = plsc.load_gather(bb_v, [t4star + 2])
        tb3 = plsc.load_gather(bb_v, [t4star + 3])
        tcls = plsc.load_gather(cid_v, [tstar])
        sel = plsc.load_gather(cls_v, [rC + tcls])

        def cmax_body(c, carry):
            m_, bidx_, cvec = carry
            x = plsc.load_gather(cls_v, [rC + cvec])
            better = x > m_
            return (jnp.where(better, x, m_),
                    jnp.where(better, cvec, bidx_), cvec + 1)

        m, bidx, _ = lax.fori_loop(0, C, cmax_body, (zf - 1e30, zi, zi),
                                   unroll=9)

        def csum_body(c, carry):
            s_, cvec = carry
            x = plsc.load_gather(cls_v, [rC + cvec])
            return (s_ + jnp.exp(x - m), cvec + 1)

        s, _ = lax.fori_loop(0, C, csum_body, (zf, zi), unroll=9)
        nll = (m + _log(s)) - sel
        correct = jnp.where(bidx == tcls, 1.0, 0.0)

        r0 = _round_ne(tb0 * (1.0 / RED)) * RED
        r1 = _round_ne(tb1 * (1.0 / RED)) * RED
        r2 = _round_ne(tb2 * (1.0 / RED)) * RED
        r3 = _round_ne(tb3 * (1.0 / RED)) * RED
        h = r2 - r0
        wd = r3 - r1
        hs = jnp.where(jnp.abs(h) > 1e-6, h, 1.0)
        ws = jnp.where(jnp.abs(wd) > 1e-6, wd, 1.0)
        g0 = plsc.load_gather(reg_v, [r4])
        g1 = plsc.load_gather(reg_v, [r4 + 1])
        g2 = plsc.load_gather(reg_v, [r4 + 2])
        g3 = plsc.load_gather(reg_v, [r4 + 3])

        def sl1(p_, tg):
            d = p_ - tg
            ad = jnp.abs(d)
            return jnp.where(ad < 1.0, 0.5 * d * d, ad - 0.5)

        rl = (sl1(g0, (tb0 - r0) / hs) + sl1(g1, (tb1 - r1) / ws)
              + sl1(g2, (tb2 - r2) / hs) + sl1(g3, (tb3 - r3) / ws))

        return (a_np + jnp.where(mask, 1.0, 0.0),
                a_cls + jnp.where(mask, nll, 0.0),
                a_acc + jnp.where(mask, correct, 0.0),
                a_reg + jnp.where(mask, rl, 0.0))

    a_np, a_cls, a_acc, a_reg = lax.fori_loop(0, R // L, chunk, (zf, zf, zf, zf))
    for j, a in ((1, a_np), (2, a_cls), (3, a_acc), (4, a_reg)):
        part_v[:] = a
        pltpu.sync_copy(part_v, shared.at[j].at[w])
    plsc.subcore_barrier()

    @pl.when(w == 0)
    def _():
        for j in range(4):
            cp = pltpu.make_async_copy(shared.at[j + 1], all_v.at[j], sem)
            cp.start()
            cp.wait()
        vs = []
        for j in range(4):

            def red(i, c):
                return c + all_v[j, i, :]

            vs.append(lax.fori_loop(0, NS, red, zf))
        vn, vc, va, vr = vs
        sv = jnp.where(iota == 0, jnp.sum(vc),
                       jnp.where(iota == 1, jnp.sum(vr),
                                 jnp.where(iota == 2, jnp.sum(va), 0.0)))
        denomv = jnp.maximum(zf + jnp.sum(vn), 1.0)
        out_v[:] = sv / denomv
        pltpu.sync_copy(out_v, out_ref)


@functools.cache
def _sc_call():
    return functools.partial(
        pl.kernel,
        out_type=jax.ShapeDtypeStruct((L,), jnp.float32),
        mesh=plsc.VectorSubcoreMesh(core_axis_name="c", subcore_axis_name="s",
                                    num_cores=1, num_subcores=NS),
        compiler_params=pltpu.CompilerParams(needs_layout_passes=False),
        scratch_types=[
            pltpu.VMEM((R * 4,), jnp.float32),
            pltpu.VMEM((R * 4,), jnp.float32),
            pltpu.VMEM((R * C,), jnp.float32),
            pltpu.VMEM((T * 4,), jnp.float32),
            pltpu.VMEM((T,), jnp.int32),
            pltpu.VMEM((L,), jnp.float32),
            pltpu.VMEM((4, NS, L), jnp.float32),
            pltpu.VMEM((L,), jnp.float32),
            pltpu.VMEM_SHARED((5, NS, L), jnp.float32),
            pltpu.SemaphoreType.DMA,
        ],
    )(_body)


def kernel(nms_reg, nms_cls, rcnn_reg, rcnn_cls, bboxes, classes):
    del nms_cls
    out = _sc_call()(nms_reg.reshape(B, R * 4), rcnn_reg.reshape(B, R * 4),
                     rcnn_cls.reshape(B, R * C), bboxes.reshape(B, T * 4),
                     classes)
    return (out[0:1], out[1:2], out[2:3])

# --- scband reference (transcript-rebuilt; emitter-appended) ---
"""Pipeline reference for scband-rcnntrainer-87943750352916 (READ-ONLY COPY).

The authoritative reference and input builder live on the scoring server;
editing this copy changes nothing except your own understanding.
"""

import jax, jax.numpy as jnp
import numpy as np

TOP, LEFT, BOTTOM, RIGHT = 0, 1, 2, 3
REDUCTION = 16.0


def calculate_iou(a, b):
    # boxes in [top, left, bottom, right] format
    it = jnp.maximum(a[..., TOP], b[..., TOP])
    il = jnp.maximum(a[..., LEFT], b[..., LEFT])
    ib = jnp.minimum(a[..., BOTTOM], b[..., BOTTOM])
    ir = jnp.minimum(a[..., RIGHT], b[..., RIGHT])
    ih = jnp.maximum(ib - it, 0.0)
    iw = jnp.maximum(ir - il, 0.0)
    inter = ih * iw
    area_a = jnp.maximum(a[..., BOTTOM] - a[..., TOP], 0.0) * jnp.maximum(a[..., RIGHT] - a[..., LEFT], 0.0)
    area_b = jnp.maximum(b[..., BOTTOM] - b[..., TOP], 0.0) * jnp.maximum(b[..., RIGHT] - b[..., LEFT], 0.0)
    union = area_a + area_b - inter
    return inter / jnp.maximum(union, 1e-8)


def setup_inputs(seed: int = 0):
    key = jax.random.key(seed)
    ks = jax.random.split(key, 8)
    B, T, R, C = 16, 64, 128, 81
    # ground-truth boxes at realistic image scale so heights/widths survive rounding by REDUCTION
    tl = jax.random.uniform(ks[0], (B, T, 2), minval=0.0, maxval=768.0)
    hw = jax.random.uniform(ks[1], (B, T, 2), minval=32.0, maxval=224.0)
    bboxes = jnp.stack([tl[..., 0], tl[..., 1], tl[..., 0] + hw[..., 0], tl[..., 1] + hw[..., 1]], axis=-1).astype(jnp.float32)
    # proposals near GT boxes so the IoU>0.7 positive branch is exercised
    tgt_idx = jnp.arange(R) % T
    nms_reg = bboxes[:, tgt_idx, :] + 1.0 * jax.random.normal(ks[2], (B, R, 4), dtype=jnp.float32)
    rcnn_reg = 0.1 * jax.random.normal(ks[3], (B, R, 4), dtype=jnp.float32)
    rcnn_cls = jax.random.normal(ks[4], (B, R, C), dtype=jnp.float32)
    nms_cls = jax.random.normal(ks[5], (B, R, C), dtype=jnp.float32)
    classes = jax.random.randint(ks[6], (B, T), 0, C, dtype=jnp.int32)
    return {"nms_reg": nms_reg, "nms_cls": nms_cls, "rcnn_reg": rcnn_reg, "rcnn_cls": rcnn_cls, "bboxes": bboxes, "classes": classes}


def _forward(nms_reg, rcnn_reg, rcnn_cls, bboxes, classes):
    B, T = bboxes.shape[0], bboxes.shape[1]
    R = rcnn_reg.shape[1]
    C = rcnn_cls.shape[-1]
    # pairwise IoU between every proposal and every target: [B, T, R]
    iou = calculate_iou(nms_reg[:, None, :, :], bboxes[:, :, None, :])
    order = jnp.argsort(iou, axis=1)
    sorted_iou = jnp.take_along_axis(iou, order, axis=1)
    idx4 = jnp.broadcast_to(order[..., None], (B, T, R, 4))
    idxC = jnp.broadcast_to(order[..., None], (B, T, R, C))
    reg_exp = jnp.broadcast_to(rcnn_reg[:, None, :, :], (B, T, R, 4))
    bbox_exp = jnp.broadcast_to(bboxes[:, :, None, :], (B, T, R, 4))
    cls_exp = jnp.broadcast_to(rcnn_cls[:, None, :, :], (B, T, R, C))
    classes_exp = jnp.broadcast_to(classes[:, :, None], (B, T, R))
    max_reg = jnp.take_along_axis(reg_exp, idx4, axis=1)[:, -1]
    max_bboxes = jnp.take_along_axis(bbox_exp, idx4, axis=1)[:, -1]
    max_rcnn_cls = jnp.take_along_axis(cls_exp, idxC, axis=1)[:, -1]
    max_classes = jnp.take_along_axis(classes_exp, order, axis=1)[:, -1]
    max_iou = sorted_iou[:, -1, :]
    mask = max_iou > 0.7  # [B, R]
    n_pos = jnp.sum(mask)
    denom = jnp.maximum(n_pos, 1).astype(jnp.float32)
    # cross entropy over positive proposals (mean reduction)
    logp = jax.nn.log_softmax(max_rcnn_cls, axis=-1)
    nll = -jnp.take_along_axis(logp, max_classes[..., None], axis=-1)[..., 0]
    cls_loss = jnp.sum(jnp.where(mask, nll, 0.0)) / denom
    correct = (jnp.argmax(max_rcnn_cls, axis=-1) == max_classes).astype(jnp.float32)
    accuracy = jnp.sum(jnp.where(mask, correct, 0.0)) / denom
    # regression targets from rounded (quantized) boxes
    rounded = jnp.round(max_bboxes / REDUCTION) * REDUCTION
    h = rounded[..., BOTTOM] - rounded[..., TOP]
    w = rounded[..., RIGHT] - rounded[..., LEFT]
    h_safe = jnp.where(jnp.abs(h) > 1e-6, h, 1.0)
    w_safe = jnp.where(jnp.abs(w) > 1e-6, w, 1.0)

    def smooth_l1_masked_mean(pred, tgt):
        d = pred - tgt
        ad = jnp.abs(d)
        loss = jnp.where(ad < 1.0, 0.5 * d * d, ad - 0.5)
        return jnp.sum(jnp.where(mask, loss, 0.0)) / denom

    reg_loss = smooth_l1_masked_mean(max_reg[..., TOP], (max_bboxes[..., TOP] - rounded[..., TOP]) / h_safe)
    reg_loss = reg_loss + smooth_l1_masked_mean(max_reg[..., LEFT], (max_bboxes[..., LEFT] - rounded[..., LEFT]) / w_safe)
    reg_loss = reg_loss + smooth_l1_masked_mean(max_reg[..., BOTTOM], (max_bboxes[..., BOTTOM] - rounded[..., BOTTOM]) / h_safe)
    reg_loss = reg_loss + smooth_l1_masked_mean(max_reg[..., RIGHT], (max_bboxes[..., RIGHT] - rounded[..., RIGHT]) / w_safe)
    # if there are no positives, torch returns zeros
    has_pos = (n_pos > 0).astype(jnp.float32)
    cls_loss = cls_loss * has_pos
    reg_loss = reg_loss * has_pos
    accuracy = accuracy * has_pos
    return (jnp.reshape(cls_loss, (1,)), jnp.reshape(reg_loss, (1,)), jnp.reshape(accuracy, (1,)))


def reference(nms_reg, nms_cls, rcnn_reg, rcnn_cls, bboxes, classes):
    return _forward(nms_reg, rcnn_reg, rcnn_cls, bboxes, classes)

if __name__ == "__main__":
    import jax
    _d = setup_inputs()
    print(jax.jit(kernel)(*tuple(_d.values())))

</pallas_src>

<mosaic_0001>
#map = affine_map<(d0, d1) -> (0, 0)>
#map1 = affine_map<(d0, d1) -> (0)>
module attributes {stable_mosaic.version = 14 : i64} {
  func.func @_body(%arg0: i32, %arg1: i32, %arg2: memref<16x512xf32, #tpu.memory_space<hbm>>, %arg3: memref<16x512xf32, #tpu.memory_space<hbm>>, %arg4: memref<16x10368xf32, #tpu.memory_space<hbm>>, %arg5: memref<16x256xf32, #tpu.memory_space<hbm>>, %arg6: memref<16x64xi32, #tpu.memory_space<hbm>>, %arg7: memref<16xf32, #tpu.memory_space<hbm>>, %arg8: memref<512xf32, #tpu.memory_space<vmem>>, %arg9: memref<512xf32, #tpu.memory_space<vmem>>, %arg10: memref<10368xf32, #tpu.memory_space<vmem>>, %arg11: memref<256xf32, #tpu.memory_space<vmem>>, %arg12: memref<64xi32, #tpu.memory_space<vmem>>, %arg13: memref<16xf32, #tpu.memory_space<vmem>>, %arg14: memref<4x16x16xf32, #tpu.memory_space<vmem>>, %arg15: memref<16xf32, #tpu.memory_space<vmem>>, %arg16: memref<5x16x16xf32, #tpu.memory_space<vmem_shared>>, %arg17: memref<!tpu.dma_semaphore, #tpu.memory_space<semaphore_mem>>) attributes {dimension_semantics = [#tpu.dimension_semantics<core_parallel>, #tpu.dimension_semantics<subcore_parallel>], iteration_bounds = array<i64: 1, 16>, scalar_prefetch = 0 : i64, scratch_operands = 10 : i64, tpu.core_type = #tpu.core_type<sc_vector_subcore>, window_params = [{transform_indices = #map}, {transform_indices = #map}, {transform_indices = #map}, {transform_indices = #map}, {transform_indices = #map}, {transform_indices = #map1}]} {
    "tpu.region"() ({
      %run_scoped3A_20 = tpu.sem_alloc : memref<!tpu.dma_semaphore, #tpu.memory_space<semaphore_mem>>
      %dma_start3A = arith.constant 0 : i32
      %dma_start3A_21 = tpu.memref_slice %arg2[%arg1, %dma_start3A] : memref<16x512xf32, #tpu.memory_space<hbm>> -> memref<1x512xf32, #tpu.memory_space<hbm>>
      %dma_start3A_22 = tpu.memref_squeeze %dma_start3A_21 : memref<1x512xf32, #tpu.memory_space<hbm>> -> memref<512xf32, #tpu.memory_space<hbm>>
      %dma_start3A_23 = arith.constant 0 : i32
      %dma_start3A_24 = tpu.memref_slice %arg2[%arg1, %dma_start3A_23] : memref<16x512xf32, #tpu.memory_space<hbm>> -> memref<1x512xf32, #tpu.memory_space<hbm>>
      %dma_start3A_25 = tpu.memref_squeeze %dma_start3A_24 : memref<1x512xf32, #tpu.memory_space<hbm>> -> memref<512xf32, #tpu.memory_space<hbm>>
      tpu.enqueue_dma source(%dma_start3A_25 : memref<512xf32, #tpu.memory_space<hbm>>) target(%arg8 : memref<512xf32, #tpu.memory_space<vmem>>) target_semaphore(%run_scoped3A_20 : memref<!tpu.dma_semaphore, #tpu.memory_space<semaphore_mem>>)
      %dma_wait3A = arith.constant 0 : i32
      %dma_wait3A_26 = tpu.memref_slice %arg2[%arg1, %dma_wait3A] : memref<16x512xf32, #tpu.memory_space<hbm>> -> memref<1x512xf32, #tpu.memory_space<hbm>>
      %dma_wait3A_27 = tpu.memref_squeeze %dma_wait3A_26 : memref<1x512xf32, #tpu.memory_space<hbm>> -> memref<512xf32, #tpu.memory_space<hbm>>
      %dma_wait3A_28 = arith.constant 0 : i32
      %dma_wait3A_29 = tpu.memref_slice %arg2[%arg1, %dma_wait3A_28] : memref<16x512xf32, #tpu.memory_space<hbm>> -> memref<1x512xf32, #tpu.memory_space<hbm>>
      %dma_wait3A_30 = tpu.memref_squeeze %dma_wait3A_29 : memref<1x512xf32, #tpu.memory_space<hbm>> -> memref<512xf32, #tpu.memory_space<hbm>>
      tpu.wait_dma2 semaphore(%run_scoped3A_20 : memref<!tpu.dma_semaphore, #tpu.memory_space<semaphore_mem>>) src(%dma_wait3A_30 : memref<512xf32, #tpu.memory_space<hbm>>) dst(%arg8 : memref<512xf32, #tpu.memory_space<vmem>>)
      tpu.yield
    }) : () -> ()
    "tpu.region"() ({
      %run_scoped3A_20 = tpu.sem_alloc : memref<!tpu.dma_semaphore, #tpu.memory_space<semaphore_mem>>
      %dma_start3A = arith.constant 0 : i32
      %dma_start3A_21 = tpu.memref_slice %arg3[%arg1, %dma_start3A] : memref<16x512xf32, #tpu.memory_space<hbm>> -> memref<1x512xf32, #tpu.memory_space<hbm>>
      %dma_start3A_22 = tpu.memref_squeeze %dma_start3A_21 : memref<1x512xf32, #tpu.memory_space<hbm>> -> memref<512xf32, #tpu.memory_space<hbm>>
      %dma_start3A_23 = arith.constant 0 : i32
      %dma_start3A_24 = tpu.memref_slice %arg3[%arg1, %dma_start3A_23] : memref<16x512xf32, #tpu.memory_space<hbm>> -> memref<1x512xf32, #tpu.memory_space<hbm>>
      %dma_start3A_25 = tpu.memref_squeeze %dma_start3A_24 : memref<1x512xf32, #tpu.memory_space<hbm>> -> memref<512xf32, #tpu.memory_space<hbm>>
      tpu.enqueue_dma source(%dma_start3A_25 : memref<512xf32, #tpu.memory_space<hbm>>) target(%arg9 : memref<512xf32, #tpu.memory_space<vmem>>) target_semaphore(%run_scoped3A_20 : memref<!tpu.dma_semaphore, #tpu.memory_space<semaphore_mem>>)
      %dma_wait3A = arith.constant 0 : i32
      %dma_wait3A_26 = tpu.memref_slice %arg3[%arg1, %dma_wait3A] : memref<16x512xf32, #tpu.memory_space<hbm>> -> memref<1x512xf32, #tpu.memory_space<hbm>>
      %dma_wait3A_27 = tpu.memref_squeeze %dma_wait3A_26 : memref<1x512xf32, #tpu.memory_space<hbm>> -> memref<512xf32, #tpu.memory_space<hbm>>
      %dma_wait3A_28 = arith.constant 0 : i32
      %dma_wait3A_29 = tpu.memref_slice %arg3[%arg1, %dma_wait3A_28] : memref<16x512xf32, #tpu.memory_space<hbm>> -> memref<1x512xf32, #tpu.memory_space<hbm>>
      %dma_wait3A_30 = tpu.memref_squeeze %dma_wait3A_29 : memref<1x512xf32, #tpu.memory_space<hbm>> -> memref<512xf32, #tpu.memory_space<hbm>>
      tpu.wait_dma2 semaphore(%run_scoped3A_20 : memref<!tpu.dma_semaphore, #tpu.memory_space<semaphore_mem>>) src(%dma_wait3A_30 : memref<512xf32, #tpu.memory_space<hbm>>) dst(%arg9 : memref<512xf32, #tpu.memory_space<vmem>>)
      tpu.yield
    }) : () -> ()
    "tpu.region"() ({
      %run_scoped3A_20 = tpu.sem_alloc : memref<!tpu.dma_semaphore, #tpu.memory_space<semaphore_mem>>
      %dma_start3A = arith.constant 0 : i32
      %dma_start3A_21 = tpu.memref_slice %arg4[%arg1, %dma_start3A] : memref<16x10368xf32, #tpu.memory_space<hbm>> -> memref<1x10368xf32, #tpu.memory_space<hbm>>
      %dma_start3A_22 = tpu.memref_squeeze %dma_start3A_21 : memref<1x10368xf32, #tpu.memory_space<hbm>> -> memref<10368xf32, #tpu.memory_space<hbm>>
      %dma_start3A_23 = arith.constant 0 : i32
      %dma_start3A_24 = tpu.memref_slice %arg4[%arg1, %dma_start3A_23] : memref<16x10368xf32, #tpu.memory_space<hbm>> -> memref<1x10368xf32, #tpu.memory_space<hbm>>
      %dma_start3A_25 = tpu.memref_squeeze %dma_start3A_24 : memref<1x10368xf32, #tpu.memory_space<hbm>> -> memref<10368xf32, #tpu.memory_space<hbm>>
      tpu.enqueue_dma source(%dma_start3A_25 : memref<10368xf32, #tpu.memory_space<hbm>>) target(%arg10 : memref<10368xf32, #tpu.memory_space<vmem>>) target_semaphore(%run_scoped3A_20 : memref<!tpu.dma_semaphore, #tpu.memory_space<semaphore_mem>>)
      %dma_wait3A = arith.constant 0 : i32
      %dma_wait3A_26 = tpu.memref_slice %arg4[%arg1, %dma_wait3A] : memref<16x10368xf32, #tpu.memory_space<hbm>> -> memref<1x10368xf32, #tpu.memory_space<hbm>>
      %dma_wait3A_27 = tpu.memref_squeeze %dma_wait3A_26 : memref<1x10368xf32, #tpu.memory_space<hbm>> -> memref<10368xf32, #tpu.memory_space<hbm>>
      %dma_wait3A_28 = arith.constant 0 : i32
      %dma_wait3A_29 = tpu.memref_slice %arg4[%arg1, %dma_wait3A_28] : memref<16x10368xf32, #tpu.memory_space<hbm>> -> memref<1x10368xf32, #tpu.memory_space<hbm>>
      %dma_wait3A_30 = tpu.memref_squeeze %dma_wait3A_29 : memref<1x10368xf32, #tpu.memory_space<hbm>> -> memref<10368xf32, #tpu.memory_space<hbm>>
      tpu.wait_dma2 semaphore(%run_scoped3A_20 : memref<!tpu.dma_semaphore, #tpu.memory_space<semaphore_mem>>) src(%dma_wait3A_30 : memref<10368xf32, #tpu.memory_space<hbm>>) dst(%arg10 : memref<10368xf32, #tpu.memory_space<vmem>>)
      tpu.yield
    }) : () -> ()
    "tpu.region"() ({
      %run_scoped3A_20 = tpu.sem_alloc : memref<!tpu.dma_semaphore, #tpu.memory_space<semaphore_mem>>
      %dma_start3A = arith.constant 0 : i32
      %dma_start3A_21 = tpu.memref_slice %arg5[%arg1, %dma_start3A] : memref<16x256xf32, #tpu.memory_space<hbm>> -> memref<1x256xf32, #tpu.memory_space<hbm>>
      %dma_start3A_22 = tpu.memref_squeeze %dma_start3A_21 : memref<1x256xf32, #tpu.memory_space<hbm>> -> memref<256xf32, #tpu.memory_space<hbm>>
      %dma_start3A_23 = arith.constant 0 : i32
      %dma_start3A_24 = tpu.memref_slice %arg5[%arg1, %dma_start3A_23] : memref<16x256xf32, #tpu.memory_space<hbm>> -> memref<1x256xf32, #tpu.memory_space<hbm>>
      %dma_start3A_25 = tpu.memref_squeeze %dma_start3A_24 : memref<1x256xf32, #tpu.memory_space<hbm>> -> memref<256xf32, #tpu.memory_space<hbm>>
      tpu.enqueue_dma source(%dma_start3A_25 : memref<256xf32, #tpu.memory_space<hbm>>) target(%arg11 : memref<256xf32, #tpu.memory_space<vmem>>) target_semaphore(%run_scoped3A_20 : memref<!tpu.dma_semaphore, #tpu.memory_space<semaphore_mem>>)
      %dma_wait3A = arith.constant 0 : i32
      %dma_wait3A_26 = tpu.memref_slice %arg5[%arg1, %dma_wait3A] : memref<16x256xf32, #tpu.memory_space<hbm>> -> memref<1x256xf32, #tpu.memory_space<hbm>>
      %dma_wait3A_27 = tpu.memref_squeeze %dma_wait3A_26 : memref<1x256xf32, #tpu.memory_space<hbm>> -> memref<256xf32, #tpu.memory_space<hbm>>
      %dma_wait3A_28 = arith.constant 0 : i32
      %dma_wait3A_29 = tpu.memref_slice %arg5[%arg1, %dma_wait3A_28] : memref<16x256xf32, #tpu.memory_space<hbm>> -> memref<1x256xf32, #tpu.memory_space<hbm>>
      %dma_wait3A_30 = tpu.memref_squeeze %dma_wait3A_29 : memref<1x256xf32, #tpu.memory_space<hbm>> -> memref<256xf32, #tpu.memory_space<hbm>>
      tpu.wait_dma2 semaphore(%run_scoped3A_20 : memref<!tpu.dma_semaphore, #tpu.memory_space<semaphore_mem>>) src(%dma_wait3A_30 : memref<256xf32, #tpu.memory_space<hbm>>) dst(%arg11 : memref<256xf32, #tpu.memory_space<vmem>>)
      tpu.yield
    }) : () -> ()
    "tpu.region"() ({
      %run_scoped3A_20 = tpu.sem_alloc : memref<!tpu.dma_semaphore, #tpu.memory_space<semaphore_mem>>
      %dma_start3A = arith.constant 0 : i32
      %dma_start3A_21 = tpu.memref_slice %arg6[%arg1, %dma_start3A] : memref<16x64xi32, #tpu.memory_space<hbm>> -> memref<1x64xi32, #tpu.memory_space<hbm>>
      %dma_start3A_22 = tpu.memref_squeeze %dma_start3A_21 : memref<1x64xi32, #tpu.memory_space<hbm>> -> memref<64xi32, #tpu.memory_space<hbm>>
      %dma_start3A_23 = arith.constant 0 : i32
      %dma_start3A_24 = tpu.memref_slice %arg6[%arg1, %dma_start3A_23] : memref<16x64xi32, #tpu.memory_space<hbm>> -> memref<1x64xi32, #tpu.memory_space<hbm>>
      %dma_start3A_25 = tpu.memref_squeeze %dma_start3A_24 : memref<1x64xi32, #tpu.memory_space<hbm>> -> memref<64xi32, #tpu.memory_space<hbm>>
      tpu.enqueue_dma source(%dma_start3A_25 : memref<64xi32, #tpu.memory_space<hbm>>) target(%arg12 : memref<64xi32, #tpu.memory_space<vmem>>) target_semaphore(%run_scoped3A_20 : memref<!tpu.dma_semaphore, #tpu.memory_space<semaphore_mem>>)
      %dma_wait3A = arith.constant 0 : i32
      %dma_wait3A_26 = tpu.memref_slice %arg6[%arg1, %dma_wait3A] : memref<16x64xi32, #tpu.memory_space<hbm>> -> memref<1x64xi32, #tpu.memory_space<hbm>>
      %dma_wait3A_27 = tpu.memref_squeeze %dma_wait3A_26 : memref<1x64xi32, #tpu.memory_space<hbm>> -> memref<64xi32, #tpu.memory_space<hbm>>
      %dma_wait3A_28 = arith.constant 0 : i32
      %dma_wait3A_29 = tpu.memref_slice %arg6[%arg1, %dma_wait3A_28] : memref<16x64xi32, #tpu.memory_space<hbm>> -> memref<1x64xi32, #tpu.memory_space<hbm>>
      %dma_wait3A_30 = tpu.memref_squeeze %dma_wait3A_29 : memref<1x64xi32, #tpu.memory_space<hbm>> -> memref<64xi32, #tpu.memory_space<hbm>>
      tpu.wait_dma2 semaphore(%run_scoped3A_20 : memref<!tpu.dma_semaphore, #tpu.memory_space<semaphore_mem>>) src(%dma_wait3A_30 : memref<64xi32, #tpu.memory_space<hbm>>) dst(%arg12 : memref<64xi32, #tpu.memory_space<vmem>>)
      tpu.yield
    }) : () -> ()
    %iota3A = tpu.iota {dimensions = array<i32: 0>} : vector<16xi32>
    %broadcast_in_dim3A = arith.constant 0.000000e+00 : f32
    %broadcast_in_dim3A_0 = vector.broadcast %broadcast_in_dim3A : f32 to vector<16xf32>
    %broadcast_in_dim3A_1 = arith.constant 0 : i32
    %broadcast_in_dim3A_2 = vector.broadcast %broadcast_in_dim3A_1 : i32 to vector<16xi32>
    %scan3A = arith.constant 0 : i32
    %scan3A_3 = arith.constant 8 : i32
    %scan3A_4 = arith.addi %scan3A, %scan3A_3 : i32
    %scan3A_5 = arith.constant 1 : i32
    %scan3A_6:4 = scf.for %scan3A_20 = %scan3A to %scan3A_4 step %scan3A_5 iter_args(%scan3A_21 = %broadcast_in_dim3A_0, %scan3A_22 = %broadcast_in_dim3A_0, %scan3A_23 = %broadcast_in_dim3A_0, %scan3A_24 = %broadcast_in_dim3A_0) -> (vector<16xf32>, vector<16xf32>, vector<16xf32>, vector<16xf32>)  : i32 {
      %mul3A = arith.constant 16 : i32
      %mul3A_25 = arith.muli %scan3A_20, %mul3A : i32
      %add3A = vector.broadcast %mul3A_25 : i32 to vector<16xi32>
      %add3A_26 = arith.addi %add3A, %iota3A : vector<16xi32>
      %mul3A_27 = arith.constant 4 : i32
      %mul3A_28 = vector.broadcast %mul3A_27 : i32 to vector<16xi32>
      %mul3A_29 = arith.muli %add3A_26, %mul3A_28 : vector<16xi32>
      %mul3A_30 = arith.constant 81 : i32
      %mul3A_31 = vector.broadcast %mul3A_30 : i32 to vector<16xi32>
      %mul3A_32 = arith.muli %add3A_26, %mul3A_31 : vector<16xi32>
      %gather3A = tpu.vector_load_idx %arg8[%mul3A_29] : memref<512xf32, #tpu.memory_space<vmem>>[vector<16xi32>], vector<16xf32>,
      %add3A_33 = arith.constant 1 : i32
      %add3A_34 = vector.broadcast %add3A_33 : i32 to vector<16xi32>
      %add3A_35 = arith.addi %mul3A_29, %add3A_34 : vector<16xi32>
      %gather3A_36 = tpu.vector_load_idx %arg8[%add3A_35] : memref<512xf32, #tpu.memory_space<vmem>>[vector<16xi32>], vector<16xf32>,
      %add3A_37 = arith.constant 2 : i32
      %add3A_38 = vector.broadcast %add3A_37 : i32 to vector<16xi32>
      %add3A_39 = arith.addi %mul3A_29, %add3A_38 : vector<16xi32>
      %gather3A_40 = tpu.vector_load_idx %arg8[%add3A_39] : memref<512xf32, #tpu.memory_space<vmem>>[vector<16xi32>], vector<16xf32>,
      %add3A_41 = arith.constant 3 : i32
      %add3A_42 = vector.broadcast %add3A_41 : i32 to vector<16xi32>
      %add3A_43 = arith.addi %mul3A_29, %add3A_42 : vector<16xi32>
      %gather3A_44 = tpu.vector_load_idx %arg8[%add3A_43] : memref<512xf32, #tpu.memory_space<vmem>>[vector<16xi32>], vector<16xf32>,
      %sub3A = arith.subf %gather3A_40, %gather3A : vector<16xf32>
      %max3A = arith.constant 0.000000e+00 : f32
      %max3A_45 = vector.broadcast %max3A : f32 to vector<16xf32>
      %max3A_46 = arith.maximumf %sub3A, %max3A_45 : vector<16xf32>
      %sub3A_47 = arith.subf %gather3A_44, %gather3A_36 : vector<16xf32>
      %max3A_48 = arith.constant 0.000000e+00 : f32
      %max3A_49 = vector.broadcast %max3A_48 : f32 to vector<16xf32>
      %max3A_50 = arith.maximumf %sub3A_47, %max3A_49 : vector<16xf32>
      %mul3A_51 = arith.mulf %max3A_46, %max3A_50 : vector<16xf32>
      %sub3A_52 = arith.constant 1.000000e+00 : f32
      %sub3A_53 = vector.broadcast %sub3A_52 : f32 to vector<16xf32>
      %sub3A_54 = arith.subf %broadcast_in_dim3A_0, %sub3A_53 : vector<16xf32>
      %scan3A_55 = arith.constant 0 : i32
      %scan3A_56 = arith.constant 64 : i32
      %scan3A_57 = arith.addi %scan3A_55, %scan3A_56 : i32
      %scan3A_58 = arith.constant 8 : i32
      %scan3A_59:3 = scf.for %scan3A_399 = %scan3A_55 to %scan3A_57 step %scan3A_58 iter_args(%scan3A_400 = %sub3A_54, %scan3A_401 = %broadcast_in_dim3A_2, %scan3A_402 = %broadcast_in_dim3A_2) -> (vector<16xf32>, vector<16xi32>, vector<16xi32>)  : i32 {
        %gather3A_403 = tpu.vector_load_idx %arg11[%scan3A_402] : memref<256xf32, #tpu.memory_space<vmem>>[vector<16xi32>], vector<16xf32>,
        %add3A_404 = arith.constant 1 : i32
        %add3A_405 = vector.broadcast %add3A_404 : i32 to vector<16xi32>
        %add3A_406 = arith.addi %scan3A_402, %add3A_405 : vector<16xi32>
        %gather3A_407 = tpu.vector_load_idx %arg11[%add3A_406] : memref<256xf32, #tpu.memory_space<vmem>>[vector<16xi32>], vector<16xf32>,
        %add3A_408 = arith.constant 2 : i32
        %add3A_409 = vector.broadcast %add3A_408 : i32 to vector<16xi32>
        %add3A_410 = arith.addi %scan3A_402, %add3A_409 : vector<16xi32>
        %gather3A_411 = tpu.vector_load_idx %arg11[%add3A_410] : memref<256xf32, #tpu.memory_space<vmem>>[vector<16xi32>], vector<16xf32>,
        %add3A_412 = arith.constant 3 : i32
        %add3A_413 = vector.broadcast %add3A_412 : i32 to vector<16xi32>
        %add3A_414 = arith.addi %scan3A_402, %add3A_413 : vector<16xi32>
        %gather3A_415 = tpu.vector_load_idx %arg11[%add3A_414] : memref<256xf32, #tpu.memory_space<vmem>>[vector<16xi32>], vector<16xf32>,
        %max3A_416 = arith.maximumf %gather3A, %gather3A_403 : vector<16xf32>
        %max3A_417 = arith.maximumf %gather3A_36, %gather3A_407 : vector<16xf32>
        %min3A = arith.minimumf %gather3A_40, %gather3A_411 : vector<16xf32>
        %min3A_418 = arith.minimumf %gather3A_44, %gather3A_415 : vector<16xf32>
        %sub3A_419 = arith.subf %min3A, %max3A_416 : vector<16xf32>
        %max3A_420 = arith.constant 0.000000e+00 : f32
        %max3A_421 = vector.broadcast %max3A_420 : f32 to vector<16xf32>
        %max3A_422 = arith.maximumf %sub3A_419, %max3A_421 : vector<16xf32>
        %sub3A_423 = arith.subf %min3A_418, %max3A_417 : vector<16xf32>
        %max3A_424 = arith.constant 0.000000e+00 : f32
        %max3A_425 = vector.broadcast %max3A_424 : f32 to vector<16xf32>
        %max3A_426 = arith.maximumf %sub3A_423, %max3A_425 : vector<16xf32>
        %mul3A_427 = arith.mulf %max3A_422, %max3A_426 : vector<16xf32>
        %sub3A_428 = arith.subf %gather3A_411, %gather3A_403 : vector<16xf32>
        %max3A_429 = arith.constant 0.000000e+00 : f32
        %max3A_430 = vector.broadcast %max3A_429 : f32 to vector<16xf32>
        %max3A_431 = arith.maximumf %sub3A_428, %max3A_430 : vector<16xf32>
        %sub3A_432 = arith.subf %gather3A_415, %gather3A_407 : vector<16xf32>
        %max3A_433 = arith.constant 0.000000e+00 : f32
        %max3A_434 = vector.broadcast %max3A_433 : f32 to vector<16xf32>
        %max3A_435 = arith.maximumf %sub3A_432, %max3A_434 : vector<16xf32>
        %mul3A_436 = arith.mulf %max3A_431, %max3A_435 : vector<16xf32>
        %add3A_437 = arith.addf %mul3A_51, %mul3A_436 : vector<16xf32>
        %sub3A_438 = arith.subf %add3A_437, %mul3A_427 : vector<16xf32>
        %max3A_439 = arith.constant 9.99999993E-9 : f32
        %max3A_440 = vector.broadcast %max3A_439 : f32 to vector<16xf32>
        %max3A_441 = arith.maximumf %sub3A_438, %max3A_440 : vector<16xf32>
        %div3A_442 = arith.divf %mul3A_427, %max3A_441 : vector<16xf32>
        %ge3A = arith.cmpf oge, %div3A_442, %scan3A_400 : vector<16xf32>
        %select_n3A_443 = arith.select %ge3A, %div3A_442, %scan3A_400 : vector<16xi1>, vector<16xf32>
        %select_n3A_444 = arith.select %ge3A, %scan3A_402, %scan3A_401 : vector<16xi1>, vector<16xi32>
        %add3A_445 = arith.constant 4 : i32
        %add3A_446 = vector.broadcast %add3A_445 : i32 to vector<16xi32>
        %add3A_447 = arith.addi %scan3A_402, %add3A_446 : vector<16xi32>
        %scan3A_448 = arith.constant 1 : i32
        %scan3A_449 = arith.addi %scan3A_399, %scan3A_448 : i32
        %gather3A_450 = tpu.vector_load_idx %arg11[%add3A_447] : memref<256xf32, #tpu.memory_space<vmem>>[vector<16xi32>], vector<16xf32>,
        %add3A_451 = arith.constant 1 : i32
        %add3A_452 = vector.broadcast %add3A_451 : i32 to vector<16xi32>
        %add3A_453 = arith.addi %add3A_447, %add3A_452 : vector<16xi32>
        %gather3A_454 = tpu.vector_load_idx %arg11[%add3A_453] : memref<256xf32, #tpu.memory_space<vmem>>[vector<16xi32>], vector<16xf32>,
        %add3A_455 = arith.constant 2 : i32
        %add3A_456 = vector.broadcast %add3A_455 : i32 to vector<16xi32>
        %add3A_457 = arith.addi %add3A_447, %add3A_456 : vector<16xi32>
        %gather3A_458 = tpu.vector_load_idx %arg11[%add3A_457] : memref<256xf32, #tpu.memory_space<vmem>>[vector<16xi32>], vector<16xf32>,
        %add3A_459 = arith.constant 3 : i32
        %add3A_460 = vector.broadcast %add3A_459 : i32 to vector<16xi32>
        %add3A_461 = arith.addi %add3A_447, %add3A_460 : vector<16xi32>
        %gather3A_462 = tpu.vector_load_idx %arg11[%add3A_461] : memref<256xf32, #tpu.memory_space<vmem>>[vector<16xi32>], vector<16xf32>,
        %max3A_463 = arith.maximumf %gather3A, %gather3A_450 : vector<16xf32>
        %max3A_464 = arith.maximumf %gather3A_36, %gather3A_454 : vector<16xf32>
        %min3A_465 = arith.minimumf %gather3A_40, %gather3A_458 : vector<16xf32>
        %min3A_466 = arith.minimumf %gather3A_44, %gather3A_462 : vector<16xf32>
        %sub3A_467 = arith.subf %min3A_465, %max3A_463 : vector<16xf32>
        %max3A_468 = arith.constant 0.000000e+00 : f32
        %max3A_469 = vector.broadcast %max3A_468 : f32 to vector<16xf32>
        %max3A_470 = arith.maximumf %sub3A_467, %max3A_469 : vector<16xf32>
        %sub3A_471 = arith.subf %min3A_466, %max3A_464 : vector<16xf32>
        %max3A_472 = arith.constant 0.000000e+00 : f32
        %max3A_473 = vector.broadcast %max3A_472 : f32 to vector<16xf32>
        %max3A_474 = arith.maximumf %sub3A_471, %max3A_473 : vector<16xf32>
        %mul3A_475 = arith.mulf %max3A_470, %max3A_474 : vector<16xf32>
        %sub3A_476 = arith.subf %gather3A_458, %gather3A_450 : vector<16xf32>
        %max3A_477 = arith.constant 0.000000e+00 : f32
        %max3A_478 = vector.broadcast %max3A_477 : f32 to vector<16xf32>
        %max3A_479 = arith.maximumf %sub3A_476, %max3A_478 : vector<16xf32>
        %sub3A_480 = arith.subf %gather3A_462, %gather3A_454 : vector<16xf32>
        %max3A_481 = arith.constant 0.000000e+00 : f32
        %max3A_482 = vector.broadcast %max3A_481 : f32 to vector<16xf32>
        %max3A_483 = arith.maximumf %sub3A_480, %max3A_482 : vector<16xf32>
        %mul3A_484 = arith.mulf %max3A_479, %max3A_483 : vector<16xf32>
        %add3A_485 = arith.addf %mul3A_51, %mul3A_484 : vector<16xf32>
        %sub3A_486 = arith.subf %add3A_485, %mul3A_475 : vector<16xf32>
        %max3A_487 = arith.constant 9.99999993E-9 : f32
        %max3A_488 = vector.broadcast %max3A_487 : f32 to vector<16xf32>
        %max3A_489 = arith.maximumf %sub3A_486, %max3A_488 : vector<16xf32>
        %div3A_490 = arith.divf %mul3A_475, %max3A_489 : vector<16xf32>
        %ge3A_491 = arith.cmpf oge, %div3A_490, %select_n3A_443 : vector<16xf32>
        %select_n3A_492 = arith.select %ge3A_491, %div3A_490, %select_n3A_443 : vector<16xi1>, vector<16xf32>
        %select_n3A_493 = arith.select %ge3A_491, %add3A_447, %select_n3A_444 : vector<16xi1>, vector<16xi32>
        %add3A_494 = arith.constant 4 : i32
        %add3A_495 = vector.broadcast %add3A_494 : i32 to vector<16xi32>
        %add3A_496 = arith.addi %add3A_447, %add3A_495 : vector<16xi32>
        %scan3A_497 = arith.constant 2 : i32
        %scan3A_498 = arith.addi %scan3A_399, %scan3A_497 : i32
        %gather3A_499 = tpu.vector_load_idx %arg11[%add3A_496] : memref<256xf32, #tpu.memory_space<vmem>>[vector<16xi32>], vector<16xf32>,
        %add3A_500 = arith.constant 1 : i32
        %add3A_501 = vector.broadcast %add3A_500 : i32 to vector<16xi32>
        %add3A_502 = arith.addi %add3A_496, %add3A_501 : vector<16xi32>
        %gather3A_503 = tpu.vector_load_idx %arg11[%add3A_502] : memref<256xf32, #tpu.memory_space<vmem>>[vector<16xi32>], vector<16xf32>,
        %add3A_504 = arith.constant 2 : i32
        %add3A_505 = vector.broadcast %add3A_504 : i32 to vector<16xi32>
        %add3A_506 = arith.addi %add3A_496, %add3A_505 : vector<16xi32>
        %gather3A_507 = tpu.vector_load_idx %arg11[%add3A_506] : memref<256xf32, #tpu.memory_space<vmem>>[vector<16xi32>], vector<16xf32>,
        %add3A_508 = arith.constant 3 : i32
        %add3A_509 = vector.broadcast %add3A_508 : i32 to vector<16xi32>
        %add3A_510 = arith.addi %add3A_496, %add3A_509 : vector<16xi32>
        %gather3A_511 = tpu.vector_load_idx %arg11[%add3A_510] : memref<256xf32, #tpu.memory_space<vmem>>[vector<16xi32>], vector<16xf32>,
        %max3A_512 = arith.maximumf %gather3A, %gather3A_499 : vector<16xf32>
        %max3A_513 = arith.maximumf %gather3A_36, %gather3A_503 : vector<16xf32>
        %min3A_514 = arith.minimumf %gather3A_40, %gather3A_507 : vector<16xf32>
        %min3A_515 = arith.minimumf %gather3A_44, %gather3A_511 : vector<16xf32>
        %sub3A_516 = arith.subf %min3A_514, %max3A_512 : vector<16xf32>
        %max3A_517 = arith.constant 0.000000e+00 : f32
        %max3A_518 = vector.broadcast %max3A_517 : f32 to vector<16xf32>
        %max3A_519 = arith.maximumf %sub3A_516, %max3A_518 : vector<16xf32>
        %sub3A_520 = arith.subf %min3A_515, %max3A_513 : vector<16xf32>
        %max3A_521 = arith.constant 0.000000e+00 : f32
        %max3A_522 = vector.broadcast %max3A_521 : f32 to vector<16xf32>
        %max3A_523 = arith.maximumf %sub3A_520, %max3A_522 : vector<16xf32>
        %mul3A_524 = arith.mulf %max3A_519, %max3A_523 : vector<16xf32>
        %sub3A_525 = arith.subf %gather3A_507, %gather3A_499 : vector<16xf32>
        %max3A_526 = arith.constant 0.000000e+00 : f32
        %max3A_527 = vector.broadcast %max3A_526 : f32 to vector<16xf32>
        %max3A_528 = arith.maximumf %sub3A_525, %max3A_527 : vector<16xf32>
        %sub3A_529 = arith.subf %gather3A_511, %gather3A_503 : vector<16xf32>
        %max3A_530 = arith.constant 0.000000e+00 : f32
        %max3A_531 = vector.broadcast %max3A_530 : f32 to vector<16xf32>
        %max3A_532 = arith.maximumf %sub3A_529, %max3A_531 : vector<16xf32>
        %mul3A_533 = arith.mulf %max3A_528, %max3A_532 : vector<16xf32>
        %add3A_534 = arith.addf %mul3A_51, %mul3A_533 : vector<16xf32>
        %sub3A_535 = arith.subf %add3A_534, %mul3A_524 : vector<16xf32>
        %max3A_536 = arith.constant 9.99999993E-9 : f32
        %max3A_537 = vector.broadcast %max3A_536 : f32 to vector<16xf32>
        %max3A_538 = arith.maximumf %sub3A_535, %max3A_537 : vector<16xf32>
        %div3A_539 = arith.divf %mul3A_524, %max3A_538 : vector<16xf32>
        %ge3A_540 = arith.cmpf oge, %div3A_539, %select_n3A_492 : vector<16xf32>
        %select_n3A_541 = arith.select %ge3A_540, %div3A_539, %select_n3A_492 : vector<16xi1>, vector<16xf32>
        %select_n3A_542 = arith.select %ge3A_540, %add3A_496, %select_n3A_493 : vector<16xi1>, vector<16xi32>
        %add3A_543 = arith.constant 4 : i32
        %add3A_544 = vector.broadcast %add3A_543 : i32 to vector<16xi32>
        %add3A_545 = arith.addi %add3A_496, %add3A_544 : vector<16xi32>
        %scan3A_546 = arith.constant 3 : i32
        %scan3A_547 = arith.addi %scan3A_399, %scan3A_546 : i32
        %gather3A_548 = tpu.vector_load_idx %arg11[%add3A_545] : memref<256xf32, #tpu.memory_space<vmem>>[vector<16xi32>], vector<16xf32>,
        %add3A_549 = arith.constant 1 : i32
        %add3A_550 = vector.broadcast %add3A_549 : i32 to vector<16xi32>
        %add3A_551 = arith.addi %add3A_545, %add3A_550 : vector<16xi32>
        %gather3A_552 = tpu.vector_load_idx %arg11[%add3A_551] : memref<256xf32, #tpu.memory_space<vmem>>[vector<16xi32>], vector<16xf32>,
        %add3A_553 = arith.constant 2 : i32
        %add3A_554 = vector.broadcast %add3A_553 : i32 to vector<16xi32>
        %add3A_555 = arith.addi %add3A_545, %add3A_554 : vector<16xi32>
        %gather3A_556 = tpu.vector_load_idx %arg11[%add3A_555] : memref<256xf32, #tpu.memory_space<vmem>>[vector<16xi32>], vector<16xf32>,
        %add3A_557 = arith.constant 3 : i32
        %add3A_558 = vector.broadcast %add3A_557 : i32 to vector<16xi32>
        %add3A_559 = arith.addi %add3A_545, %add3A_558 : vector<16xi32>
        %gather3A_560 = tpu.vector_load_idx %arg11[%add3A_559] : memref<256xf32, #tpu.memory_space<vmem>>[vector<16xi32>], vector<16xf32>,
        %max3A_561 = arith.maximumf %gather3A, %gather3A_548 : vector<16xf32>
        %max3A_562 = arith.maximumf %gather3A_36, %gather3A_552 : vector<16xf32>
        %min3A_563 = arith.minimumf %gather3A_40, %gather3A_556 : vector<16xf32>
        %min3A_564 = arith.minimumf %gather3A_44, %gather3A_560 : vector<16xf32>
        %sub3A_565 = arith.subf %min3A_563, %max3A_561 : vector<16xf32>
        %max3A_566 = arith.constant 0.000000e+00 : f32
        %max3A_567 = vector.broadcast %max3A_566 : f32 to vector<16xf32>
        %max3A_568 = arith.maximumf %sub3A_565, %max3A_567 : vector<16xf32>
        %sub3A_569 = arith.subf %min3A_564, %max3A_562 : vector<16xf32>
        %max3A_570 = arith.constant 0.000000e+00 : f32
        %max3A_571 = vector.broadcast %max3A_570 : f32 to vector<16xf32>
        %max3A_572 = arith.maximumf %sub3A_569, %max3A_571 : vector<16xf32>
        %mul3A_573 = arith.mulf %max3A_568, %max3A_572 : vector<16xf32>
        %sub3A_574 = arith.subf %gather3A_556, %gather3A_548 : vector<16xf32>
        %max3A_575 = arith.constant 0.000000e+00 : f32
        %max3A_576 = vector.broadcast %max3A_575 : f32 to vector<16xf32>
        %max3A_577 = arith.maximumf %sub3A_574, %max3A_576 : vector<16xf32>
        %sub3A_578 = arith.subf %gather3A_560, %gather3A_552 : vector<16xf32>
        %max3A_579 = arith.constant 0.000000e+00 : f32
        %max3A_580 = vector.broadcast %max3A_579 : f32 to vector<16xf32>
        %max3A_581 = arith.maximumf %sub3A_578, %max3A_580 : vector<16xf32>
        %mul3A_582 = arith.mulf %max3A_577, %max3A_581 : vector<16xf32>
        %add3A_583 = arith.addf %mul3A_51, %mul3A_582 : vector<16xf32>
        %sub3A_584 = arith.subf %add3A_583, %mul3A_573 : vector<16xf32>
        %max3A_585 = arith.constant 9.99999993E-9 : f32
        %max3A_586 = vector.broadcast %max3A_585 : f32 to vector<16xf32>
        %max3A_587 = arith.maximumf %sub3A_584, %max3A_586 : vector<16xf32>
        %div3A_588 = arith.divf %mul3A_573, %max3A_587 : vector<16xf32>
        %ge3A_589 = arith.cmpf oge, %div3A_588, %select_n3A_541 : vector<16xf32>
        %select_n3A_590 = arith.select %ge3A_589, %div3A_588, %select_n3A_541 : vector<16xi1>, vector<16xf32>
        %select_n3A_591 = arith.select %ge3A_589, %add3A_545, %select_n3A_542 : vector<16xi1>, vector<16xi32>
        %add3A_592 = arith.constant 4 : i32
        %add3A_593 = vector.broadcast %add3A_592 : i32 to vector<16xi32>
        %add3A_594 = arith.addi %add3A_545, %add3A_593 : vector<16xi32>
        %scan3A_595 = arith.constant 4 : i32
        %scan3A_596 = arith.addi %scan3A_399, %scan3A_595 : i32
        %gather3A_597 = tpu.vector_load_idx %arg11[%add3A_594] : memref<256xf32, #tpu.memory_space<vmem>>[vector<16xi32>], vector<16xf32>,
        %add3A_598 = arith.constant 1 : i32
        %add3A_599 = vector.broadcast %add3A_598 : i32 to vector<16xi32>
        %add3A_600 = arith.addi %add3A_594, %add3A_599 : vector<16xi32>
        %gather3A_601 = tpu.vector_load_idx %arg11[%add3A_600] : memref<256xf32, #tpu.memory_space<vmem>>[vector<16xi32>], vector<16xf32>,
        %add3A_602 = arith.constant 2 : i32
        %add3A_603 = vector.broadcast %add3A_602 : i32 to vector<16xi32>
        %add3A_604 = arith.addi %add3A_594, %add3A_603 : vector<16xi32>
        %gather3A_605 = tpu.vector_load_idx %arg11[%add3A_604] : memref<256xf32, #tpu.memory_space<vmem>>[vector<16xi32>], vector<16xf32>,
        %add3A_606 = arith.constant 3 : i32
        %add3A_607 = vector.broadcast %add3A_606 : i32 to vector<16xi32>
        %add3A_608 = arith.addi %add3A_594, %add3A_607 : vector<16xi32>
        %gather3A_609 = tpu.vector_load_idx %arg11[%add3A_608] : memref<256xf32, #tpu.memory_space<vmem>>[vector<16xi32>], vector<16xf32>,
        %max3A_610 = arith.maximumf %gather3A, %gather3A_597 : vector<16xf32>
        %max3A_611 = arith.maximumf %gather3A_36, %gather3A_601 : vector<16xf32>
        %min3A_612 = arith.minimumf %gather3A_40, %gather3A_605 : vector<16xf32>
        %min3A_613 = arith.minimumf %gather3A_44, %gather3A_609 : vector<16xf32>
        %sub3A_614 = arith.subf %min3A_612, %max3A_610 : vector<16xf32>
        %max3A_615 = arith.constant 0.000000e+00 : f32
        %max3A_616 = vector.broadcast %max3A_615 : f32 to vector<16xf32>
        %max3A_617 = arith.maximumf %sub3A_614, %max3A_616 : vector<16xf32>
        %sub3A_618 = arith.subf %min3A_613, %max3A_611 : vector<16xf32>
        %max3A_619 = arith.constant 0.000000e+00 : f32
        %max3A_620 = vector.broadcast %max3A_619 : f32 to vector<16xf32>
        %max3A_621 = arith.maximumf %sub3A_618, %max3A_620 : vector<16xf32>
        %mul3A_622 = arith.mulf %max3A_617, %max3A_621 : vector<16xf32>
        %sub3A_623 = arith.subf %gather3A_605, %gather3A_597 : vector<16xf32>
        %max3A_624 = arith.constant 0.000000e+00 : f32
        %max3A_625 = vector.broadcast %max3A_624 : f32 to vector<16xf32>
        %max3A_626 = arith.maximumf %sub3A_623, %max3A_625 : vector<16xf32>
        %sub3A_627 = arith.subf %gather3A_609, %gather3A_601 : vector<16xf32>
        %max3A_628 = arith.constant 0.000000e+00 : f32
        %max3A_629 = vector.broadcast %max3A_628 : f32 to vector<16xf32>
        %max3A_630 = arith.maximumf %sub3A_627, %max3A_629 : vector<16xf32>
        %mul3A_631 = arith.mulf %max3A_626, %max3A_630 : vector<16xf32>
        %add3A_632 = arith.addf %mul3A_51, %mul3A_631 : vector<16xf32>
        %sub3A_633 = arith.subf %add3A_632, %mul3A_622 : vector<16xf32>
        %max3A_634 = arith.constant 9.99999993E-9 : f32
        %max3A_635 = vector.broadcast %max3A_634 : f32 to vector<16xf32>
        %max3A_636 = arith.maximumf %sub3A_633, %max3A_635 : vector<16xf32>
        %div3A_637 = arith.divf %mul3A_622, %max3A_636 : vector<16xf32>
        %ge3A_638 = arith.cmpf oge, %div3A_637, %select_n3A_590 : vector<16xf32>
        %select_n3A_639 = arith.select %ge3A_638, %div3A_637, %select_n3A_590 : vector<16xi1>, vector<16xf32>
        %select_n3A_640 = arith.select %ge3A_638, %add3A_594, %select_n3A_591 : vector<16xi1>, vector<16xi32>
        %add3A_641 = arith.constant 4 : i32
        %add3A_642 = vector.broadcast %add3A_641 : i32 to vector<16xi32>
        %add3A_643 = arith.addi %add3A_594, %add3A_642 : vector<16xi32>
        %scan3A_644 = arith.constant 5 : i32
        %scan3A_645 = arith.addi %scan3A_399, %scan3A_644 : i32
        %gather3A_646 = tpu.vector_load_idx %arg11[%add3A_643] : memref<256xf32, #tpu.memory_space<vmem>>[vector<16xi32>], vector<16xf32>,
        %add3A_647 = arith.constant 1 : i32
        %add3A_648 = vector.broadcast %add3A_647 : i32 to vector<16xi32>
        %add3A_649 = arith.addi %add3A_643, %add3A_648 : vector<16xi32>
        %gather3A_650 = tpu.vector_load_idx %arg11[%add3A_649] : memref<256xf32, #tpu.memory_space<vmem>>[vector<16xi32>], vector<16xf32>,
        %add3A_651 = arith.constant 2 : i32
        %add3A_652 = vector.broadcast %add3A_651 : i32 to vector<16xi32>
        %add3A_653 = arith.addi %add3A_643, %add3A_652 : vector<16xi32>
        %gather3A_654 = tpu.vector_load_idx %arg11[%add3A_653] : memref<256xf32, #tpu.memory_space<vmem>>[vector<16xi32>], vector<16xf32>,
        %add3A_655 = arith.constant 3 : i32
        %add3A_656 = vector.broadcast %add3A_655 : i32 to vector<16xi32>
        %add3A_657 = arith.addi %add3A_643, %add3A_656 : vector<16xi32>
        %gather3A_658 = tpu.vector_load_idx %arg11[%add3A_657] : memref<256xf32, #tpu.memory_space<vmem>>[vector<16xi32>], vector<16xf32>,
        %max3A_659 = arith.maximumf %gather3A, %gather3A_646 : vector<16xf32>
        %max3A_660 = arith.maximumf %gather3A_36, %gather3A_650 : vector<16xf32>
        %min3A_661 = arith.minimumf %gather3A_40, %gather3A_654 : vector<16xf32>
        %min3A_662 = arith.minimumf %gather3A_44, %gather3A_658 : vector<16xf32>
        %sub3A_663 = arith.subf %min3A_661, %max3A_659 : vector<16xf32>
        %max3A_664 = arith.constant 0.000000e+00 : f32
        %max3A_665 = vector.broadcast %max3A_664 : f32 to vector<16xf32>
        %max3A_666 = arith.maximumf %sub3A_663, %max3A_665 : vector<16xf32>
        %sub3A_667 = arith.subf %min3A_662, %max3A_660 : vector<16xf32>
        %max3A_668 = arith.constant 0.000000e+00 : f32
        %max3A_669 = vector.broadcast %max3A_668 : f32 to vector<16xf32>
        %max3A_670 = arith.maximumf %sub3A_667, %max3A_669 : vector<16xf32>
        %mul3A_671 = arith.mulf %max3A_666, %max3A_670 : vector<16xf32>
        %sub3A_672 = arith.subf %gather3A_654, %gather3A_646 : vector<16xf32>
        %max3A_673 = arith.constant 0.000000e+00 : f32
        %max3A_674 = vector.broadcast %max3A_673 : f32 to vector<16xf32>
        %max3A_675 = arith.maximumf %sub3A_672, %max3A_674 : vector<16xf32>
        %sub3A_676 = arith.subf %gather3A_658, %gather3A_650 : vector<16xf32>
        %max3A_677 = arith.constant 0.000000e+00 : f32
        %max3A_678 = vector.broadcast %max3A_677 : f32 to vector<16xf32>
        %max3A_679 = arith.maximumf %sub3A_676, %max3A_678 : vector<16xf32>
        %mul3A_680 = arith.mulf %max3A_675, %max3A_679 : vector<16xf32>
        %add3A_681 = arith.addf %mul3A_51, %mul3A_680 : vector<16xf32>
        %sub3A_682 = arith.subf %add3A_681, %mul3A_671 : vector<16xf32>
        %max3A_683 = arith.constant 9.99999993E-9 : f32
        %max3A_684 = vector.broadcast %max3A_683 : f32 to vector<16xf32>
        %max3A_685 = arith.maximumf %sub3A_682, %max3A_684 : vector<16xf32>
        %div3A_686 = arith.divf %mul3A_671, %max3A_685 : vector<16xf32>
        %ge3A_687 = arith.cmpf oge, %div3A_686, %select_n3A_639 : vector<16xf32>
        %select_n3A_688 = arith.select %ge3A_687, %div3A_686, %select_n3A_639 : vector<16xi1>, vector<16xf32>
        %select_n3A_689 = arith.select %ge3A_687, %add3A_643, %select_n3A_640 : vector<16xi1>, vector<16xi32>
        %add3A_690 = arith.constant 4 : i32
        %add3A_691 = vector.broadcast %add3A_690 : i32 to vector<16xi32>
        %add3A_692 = arith.addi %add3A_643, %add3A_691 : vector<16xi32>
        %scan3A_693 = arith.constant 6 : i32
        %scan3A_694 = arith.addi %scan3A_399, %scan3A_693 : i32
        %gather3A_695 = tpu.vector_load_idx %arg11[%add3A_692] : memref<256xf32, #tpu.memory_space<vmem>>[vector<16xi32>], vector<16xf32>,
        %add3A_696 = arith.constant 1 : i32
        %add3A_697 = vector.broadcast %add3A_696 : i32 to vector<16xi32>
        %add3A_698 = arith.addi %add3A_692, %add3A_697 : vector<16xi32>
        %gather3A_699 = tpu.vector_load_idx %arg11[%add3A_698] : memref<256xf32, #tpu.memory_space<vmem>>[vector<16xi32>], vector<16xf32>,
        %add3A_700 = arith.constant 2 : i32
        %add3A_701 = vector.broadcast %add3A_700 : i32 to vector<16xi32>
        %add3A_702 = arith.addi %add3A_692, %add3A_701 : vector<16xi32>
        %gather3A_703 = tpu.vector_load_idx %arg11[%add3A_702] : memref<256xf32, #tpu.memory_space<vmem>>[vector<16xi32>], vector<16xf32>,
        %add3A_704 = arith.constant 3 : i32
        %add3A_705 = vector.broadcast %add3A_704 : i32 to vector<16xi32>
        %add3A_706 = arith.addi %add3A_692, %add3A_705 : vector<16xi32>
        %gather3A_707 = tpu.vector_load_idx %arg11[%add3A_706] : memref<256xf32, #tpu.memory_space<vmem>>[vector<16xi32>], vector<16xf32>,
        %max3A_708 = arith.maximumf %gather3A, %gather3A_695 : vector<16xf32>
        %max3A_709 = arith.maximumf %gather3A_36, %gather3A_699 : vector<16xf32>
        %min3A_710 = arith.minimumf %gather3A_40, %gather3A_703 : vector<16xf32>
        %min3A_711 = arith.minimumf %gather3A_44, %gather3A_707 : vector<16xf32>
        %sub3A_712 = arith.subf %min3A_710, %max3A_708 : vector<16xf32>
        %max3A_713 = arith.constant 0.000000e+00 : f32
        %max3A_714 = vector.broadcast %max3A_713 : f32 to vector<16xf32>
        %max3A_715 = arith.maximumf %sub3A_712, %max3A_714 : vector<16xf32>
        %sub3A_716 = arith.subf %min3A_711, %max3A_709 : vector<16xf32>
        %max3A_717 = arith.constant 0.000000e+00 : f32
        %max3A_718 = vector.broadcast %max3A_717 : f32 to vector<16xf32>
        %max3A_719 = arith.maximumf %sub3A_716, %max3A_718 : vector<16xf32>
        %mul3A_720 = arith.mulf %max3A_715, %max3A_719 : vector<16xf32>
        %sub3A_721 = arith.subf %gather3A_703, %gather3A_695 : vector<16xf32>
        %max3A_722 = arith.constant 0.000000e+00 : f32
        %max3A_723 = vector.broadcast %max3A_722 : f32 to vector<16xf32>
        %max3A_724 = arith.maximumf %sub3A_721, %max3A_723 : vector<16xf32>
        %sub3A_725 = arith.subf %gather3A_707, %gather3A_699 : vector<16xf32>
        %max3A_726 = arith.constant 0.000000e+00 : f32
        %max3A_727 = vector.broadcast %max3A_726 : f32 to vector<16xf32>
        %max3A_728 = arith.maximumf %sub3A_725, %max3A_727 : vector<16xf32>
        %mul3A_729 = arith.mulf %max3A_724, %max3A_728 : vector<16xf32>
        %add3A_730 = arith.addf %mul3A_51, %mul3A_729 : vector<16xf32>
        %sub3A_731 = arith.subf %add3A_730, %mul3A_720 : vector<16xf32>
        %max3A_732 = arith.constant 9.99999993E-9 : f32
        %max3A_733 = vector.broadcast %max3A_732 : f32 to vector<16xf32>
        %max3A_734 = arith.maximumf %sub3A_731, %max3A_733 : vector<16xf32>
        %div3A_735 = arith.divf %mul3A_720, %max3A_734 : vector<16xf32>
        %ge3A_736 = arith.cmpf oge, %div3A_735, %select_n3A_688 : vector<16xf32>
        %select_n3A_737 = arith.select %ge3A_736, %div3A_735, %select_n3A_688 : vector<16xi1>, vector<16xf32>
        %select_n3A_738 = arith.select %ge3A_736, %add3A_692, %select_n3A_689 : vector<16xi1>, vector<16xi32>
        %add3A_739 = arith.constant 4 : i32
        %add3A_740 = vector.broadcast %add3A_739 : i32 to vector<16xi32>
        %add3A_741 = arith.addi %add3A_692, %add3A_740 : vector<16xi32>
        %scan3A_742 = arith.constant 7 : i32
        %scan3A_743 = arith.addi %scan3A_399, %scan3A_742 : i32
        %gather3A_744 = tpu.vector_load_idx %arg11[%add3A_741] : memref<256xf32, #tpu.memory_space<vmem>>[vector<16xi32>], vector<16xf32>,
        %add3A_745 = arith.constant 1 : i32
        %add3A_746 = vector.broadcast %add3A_745 : i32 to vector<16xi32>
        %add3A_747 = arith.addi %add3A_741, %add3A_746 : vector<16xi32>
        %gather3A_748 = tpu.vector_load_idx %arg11[%add3A_747] : memref<256xf32, #tpu.memory_space<vmem>>[vector<16xi32>], vector<16xf32>,
        %add3A_749 = arith.constant 2 : i32
        %add3A_750 = vector.broadcast %add3A_749 : i32 to vector<16xi32>
        %add3A_751 = arith.addi %add3A_741, %add3A_750 : vector<16xi32>
        %gather3A_752 = tpu.vector_load_idx %arg11[%add3A_751] : memref<256xf32, #tpu.memory_space<vmem>>[vector<16xi32>], vector<16xf32>,
        %add3A_753 = arith.constant 3 : i32
        %add3A_754 = vector.broadcast %add3A_753 : i32 to vector<16xi32>
        %add3A_755 = arith.addi %add3A_741, %add3A_754 : vector<16xi32>
        %gather3A_756 = tpu.vector_load_idx %arg11[%add3A_755] : memref<256xf32, #tpu.memory_space<vmem>>[vector<16xi32>], vector<16xf32>,
        %max3A_757 = arith.maximumf %gather3A, %gather3A_744 : vector<16xf32>
        %max3A_758 = arith.maximumf %gather3A_36, %gather3A_748 : vector<16xf32>
        %min3A_759 = arith.minimumf %gather3A_40, %gather3A_752 : vector<16xf32>
        %min3A_760 = arith.minimumf %gather3A_44, %gather3A_756 : vector<16xf32>
        %sub3A_761 = arith.subf %min3A_759, %max3A_757 : vector<16xf32>
        %max3A_762 = arith.constant 0.000000e+00 : f32
        %max3A_763 = vector.broadcast %max3A_762 : f32 to vector<16xf32>
        %max3A_764 = arith.maximumf %sub3A_761, %max3A_763 : vector<16xf32>
        %sub3A_765 = arith.subf %min3A_760, %max3A_758 : vector<16xf32>
        %max3A_766 = arith.constant 0.000000e+00 : f32
        %max3A_767 = vector.broadcast %max3A_766 : f32 to vector<16xf32>
        %max3A_768 = arith.maximumf %sub3A_765, %max3A_767 : vector<16xf32>
        %mul3A_769 = arith.mulf %max3A_764, %max3A_768 : vector<16xf32>
        %sub3A_770 = arith.subf %gather3A_752, %gather3A_744 : vector<16xf32>
        %max3A_771 = arith.constant 0.000000e+00 : f32
        %max3A_772 = vector.broadcast %max3A_771 : f32 to vector<16xf32>
        %max3A_773 = arith.maximumf %sub3A_770, %max3A_772 : vector<16xf32>
        %sub3A_774 = arith.subf %gather3A_756, %gather3A_748 : vector<16xf32>
        %max3A_775 = arith.constant 0.000000e+00 : f32
        %max3A_776 = vector.broadcast %max3A_775 : f32 to vector<16xf32>
        %max3A_777 = arith.maximumf %sub3A_774, %max3A_776 : vector<16xf32>
        %mul3A_778 = arith.mulf %max3A_773, %max3A_777 : vector<16xf32>
        %add3A_779 = arith.addf %mul3A_51, %mul3A_778 : vector<16xf32>
        %sub3A_780 = arith.subf %add3A_779, %mul3A_769 : vector<16xf32>
        %max3A_781 = arith.constant 9.99999993E-9 : f32
        %max3A_782 = vector.broadcast %max3A_781 : f32 to vector<16xf32>
        %max3A_783 = arith.maximumf %sub3A_780, %max3A_782 : vector<16xf32>
        %div3A_784 = arith.divf %mul3A_769, %max3A_783 : vector<16xf32>
        %ge3A_785 = arith.cmpf oge, %div3A_784, %select_n3A_737 : vector<16xf32>
        %select_n3A_786 = arith.select %ge3A_785, %div3A_784, %select_n3A_737 : vector<16xi1>, vector<16xf32>
        %select_n3A_787 = arith.select %ge3A_785, %add3A_741, %select_n3A_738 : vector<16xi1>, vector<16xi32>
        %add3A_788 = arith.constant 4 : i32
        %add3A_789 = vector.broadcast %add3A_788 : i32 to vector<16xi32>
        %add3A_790 = arith.addi %add3A_741, %add3A_789 : vector<16xi32>
        scf.yield %select_n3A_786, %select_n3A_787, %add3A_790 : vector<16xf32>, vector<16xi32>, vector<16xi32>
      }
      %scan3A_60 = arith.constant 64 : i32
      %shift_right_arithmetic3A = arith.constant 2 : i32
      %shift_right_arithmetic3A_61 = vector.broadcast %shift_right_arithmetic3A : i32 to vector<16xi32>
      %shift_right_arithmetic3A_62 = arith.shrsi %scan3A_59#1, %shift_right_arithmetic3A_61 : vector<16xi32>
      %gt3A = arith.constant 0.699999988 : f32
      %gt3A_63 = vector.broadcast %gt3A : f32 to vector<16xf32>
      %gt3A_64 = arith.cmpf ogt, %scan3A_59#0, %gt3A_63 : vector<16xf32>
      %gather3A_65 = tpu.vector_load_idx %arg11[%scan3A_59#1] : memref<256xf32, #tpu.memory_space<vmem>>[vector<16xi32>], vector<16xf32>,
      %add3A_66 = arith.constant 1 : i32
      %add3A_67 = vector.broadcast %add3A_66 : i32 to vector<16xi32>
      %add3A_68 = arith.addi %scan3A_59#1, %add3A_67 : vector<16xi32>
      %gather3A_69 = tpu.vector_load_idx %arg11[%add3A_68] : memref<256xf32, #tpu.memory_space<vmem>>[vector<16xi32>], vector<16xf32>,
      %add3A_70 = arith.constant 2 : i32
      %add3A_71 = vector.broadcast %add3A_70 : i32 to vector<16xi32>
      %add3A_72 = arith.addi %scan3A_59#1, %add3A_71 : vector<16xi32>
      %gather3A_73 = tpu.vector_load_idx %arg11[%add3A_72] : memref<256xf32, #tpu.memory_space<vmem>>[vector<16xi32>], vector<16xf32>,
      %add3A_74 = arith.constant 3 : i32
      %add3A_75 = vector.broadcast %add3A_74 : i32 to vector<16xi32>
      %add3A_76 = arith.addi %scan3A_59#1, %add3A_75 : vector<16xi32>
      %gather3A_77 = tpu.vector_load_idx %arg11[%add3A_76] : memref<256xf32, #tpu.memory_space<vmem>>[vector<16xi32>], vector<16xf32>,
      %gather3A_78 = tpu.vector_load_idx %arg12[%shift_right_arithmetic3A_62] : memref<64xi32, #tpu.memory_space<vmem>>[vector<16xi32>], vector<16xi32>,
      %add3A_79 = arith.addi %mul3A_32, %gather3A_78 : vector<16xi32>
      %gather3A_80 = tpu.vector_load_idx %arg10[%add3A_79] : memref<10368xf32, #tpu.memory_space<vmem>>[vector<16xi32>], vector<16xf32>,
      %sub3A_81 = arith.constant 1.000000e+30 : f32
      %sub3A_82 = vector.broadcast %sub3A_81 : f32 to vector<16xf32>
      %sub3A_83 = arith.subf %broadcast_in_dim3A_0, %sub3A_82 : vector<16xf32>
      %scan3A_84 = arith.constant 0 : i32
      %scan3A_85 = arith.constant 81 : i32
      %scan3A_86 = arith.addi %scan3A_84, %scan3A_85 : i32
      %scan3A_87 = arith.constant 9 : i32
      %scan3A_88:3 = scf.for %scan3A_399 = %scan3A_84 to %scan3A_86 step %scan3A_87 iter_args(%scan3A_400 = %sub3A_83, %scan3A_401 = %broadcast_in_dim3A_2, %scan3A_402 = %broadcast_in_dim3A_2) -> (vector<16xf32>, vector<16xi32>, vector<16xi32>)  : i32 {
        %add3A_403 = arith.addi %mul3A_32, %scan3A_402 : vector<16xi32>
        %gather3A_404 = tpu.vector_load_idx %arg10[%add3A_403] : memref<10368xf32, #tpu.memory_space<vmem>>[vector<16xi32>], vector<16xf32>,
        %gt3A_405 = arith.cmpf ogt, %gather3A_404, %scan3A_400 : vector<16xf32>
        %select_n3A_406 = arith.select %gt3A_405, %gather3A_404, %scan3A_400 : vector<16xi1>, vector<16xf32>
        %select_n3A_407 = arith.select %gt3A_405, %scan3A_402, %scan3A_401 : vector<16xi1>, vector<16xi32>
        %add3A_408 = arith.constant 1 : i32
        %add3A_409 = vector.broadcast %add3A_408 : i32 to vector<16xi32>
        %add3A_410 = arith.addi %scan3A_402, %add3A_409 : vector<16xi32>
        %scan3A_411 = arith.constant 1 : i32
        %scan3A_412 = arith.addi %scan3A_399, %scan3A_411 : i32
        %add3A_413 = arith.addi %mul3A_32, %add3A_410 : vector<16xi32>
        %gather3A_414 = tpu.vector_load_idx %arg10[%add3A_413] : memref<10368xf32, #tpu.memory_space<vmem>>[vector<16xi32>], vector<16xf32>,
        %gt3A_415 = arith.cmpf ogt, %gather3A_414, %select_n3A_406 : vector<16xf32>
        %select_n3A_416 = arith.select %gt3A_415, %gather3A_414, %select_n3A_406 : vector<16xi1>, vector<16xf32>
        %select_n3A_417 = arith.select %gt3A_415, %add3A_410, %select_n3A_407 : vector<16xi1>, vector<16xi32>
        %add3A_418 = arith.constant 1 : i32
        %add3A_419 = vector.broadcast %add3A_418 : i32 to vector<16xi32>
        %add3A_420 = arith.addi %add3A_410, %add3A_419 : vector<16xi32>
        %scan3A_421 = arith.constant 2 : i32
        %scan3A_422 = arith.addi %scan3A_399, %scan3A_421 : i32
        %add3A_423 = arith.addi %mul3A_32, %add3A_420 : vector<16xi32>
        %gather3A_424 = tpu.vector_load_idx %arg10[%add3A_423] : memref<10368xf32, #tpu.memory_space<vmem>>[vector<16xi32>], vector<16xf32>,
        %gt3A_425 = arith.cmpf ogt, %gather3A_424, %select_n3A_416 : vector<16xf32>
        %select_n3A_426 = arith.select %gt3A_425, %gather3A_424, %select_n3A_416 : vector<16xi1>, vector<16xf32>
        %select_n3A_427 = arith.select %gt3A_425, %add3A_420, %select_n3A_417 : vector<16xi1>, vector<16xi32>
        %add3A_428 = arith.constant 1 : i32
        %add3A_429 = vector.broadcast %add3A_428 : i32 to vector<16xi32>
        %add3A_430 = arith.addi %add3A_420, %add3A_429 : vector<16xi32>
        %scan3A_431 = arith.constant 3 : i32
        %scan3A_432 = arith.addi %scan3A_399, %scan3A_431 : i32
        %add3A_433 = arith.addi %mul3A_32, %add3A_430 : vector<16xi32>
        %gather3A_434 = tpu.vector_load_idx %arg10[%add3A_433] : memref<10368xf32, #tpu.memory_space<vmem>>[vector<16xi32>], vector<16xf32>,
        %gt3A_435 = arith.cmpf ogt, %gather3A_434, %select_n3A_426 : vector<16xf32>
        %select_n3A_436 = arith.select %gt3A_435, %gather3A_434, %select_n3A_426 : vector<16xi1>, vector<16xf32>
        %select_n3A_437 = arith.select %gt3A_435, %add3A_430, %select_n3A_427 : vector<16xi1>, vector<16xi32>
        %add3A_438 = arith.constant 1 : i32
        %add3A_439 = vector.broadcast %add3A_438 : i32 to vector<16xi32>
        %add3A_440 = arith.addi %add3A_430, %add3A_439 : vector<16xi32>
        %scan3A_441 = arith.constant 4 : i32
        %scan3A_442 = arith.addi %scan3A_399, %scan3A_441 : i32
        %add3A_443 = arith.addi %mul3A_32, %add3A_440 : vector<16xi32>
        %gather3A_444 = tpu.vector_load_idx %arg10[%add3A_443] : memref<10368xf32, #tpu.memory_space<vmem>>[vector<16xi32>], vector<16xf32>,
        %gt3A_445 = arith.cmpf ogt, %gather3A_444, %select_n3A_436 : vector<16xf32>
        %select_n3A_446 = arith.select %gt3A_445, %gather3A_444, %select_n3A_436 : vector<16xi1>, vector<16xf32>
        %select_n3A_447 = arith.select %gt3A_445, %add3A_440, %select_n3A_437 : vector<16xi1>, vector<16xi32>
        %add3A_448 = arith.constant 1 : i32
        %add3A_449 = vector.broadcast %add3A_448 : i32 to vector<16xi32>
        %add3A_450 = arith.addi %add3A_440, %add3A_449 : vector<16xi32>
        %scan3A_451 = arith.constant 5 : i32
        %scan3A_452 = arith.addi %scan3A_399, %scan3A_451 : i32
        %add3A_453 = arith.addi %mul3A_32, %add3A_450 : vector<16xi32>
        %gather3A_454 = tpu.vector_load_idx %arg10[%add3A_453] : memref<10368xf32, #tpu.memory_space<vmem>>[vector<16xi32>], vector<16xf32>,
        %gt3A_455 = arith.cmpf ogt, %gather3A_454, %select_n3A_446 : vector<16xf32>
        %select_n3A_456 = arith.select %gt3A_455, %gather3A_454, %select_n3A_446 : vector<16xi1>, vector<16xf32>
        %select_n3A_457 = arith.select %gt3A_455, %add3A_450, %select_n3A_447 : vector<16xi1>, vector<16xi32>
        %add3A_458 = arith.constant 1 : i32
        %add3A_459 = vector.broadcast %add3A_458 : i32 to vector<16xi32>
        %add3A_460 = arith.addi %add3A_450, %add3A_459 : vector<16xi32>
        %scan3A_461 = arith.constant 6 : i32
        %scan3A_462 = arith.addi %scan3A_399, %scan3A_461 : i32
        %add3A_463 = arith.addi %mul3A_32, %add3A_460 : vector<16xi32>
        %gather3A_464 = tpu.vector_load_idx %arg10[%add3A_463] : memref<10368xf32, #tpu.memory_space<vmem>>[vector<16xi32>], vector<16xf32>,
        %gt3A_465 = arith.cmpf ogt, %gather3A_464, %select_n3A_456 : vector<16xf32>
        %select_n3A_466 = arith.select %gt3A_465, %gather3A_464, %select_n3A_456 : vector<16xi1>, vector<16xf32>
        %select_n3A_467 = arith.select %gt3A_465, %add3A_460, %select_n3A_457 : vector<16xi1>, vector<16xi32>
        %add3A_468 = arith.constant 1 : i32
        %add3A_469 = vector.broadcast %add3A_468 : i32 to vector<16xi32>
        %add3A_470 = arith.addi %add3A_460, %add3A_469 : vector<16xi32>
        %scan3A_471 = arith.constant 7 : i32
        %scan3A_472 = arith.addi %scan3A_399, %scan3A_471 : i32
        %add3A_473 = arith.addi %mul3A_32, %add3A_470 : vector<16xi32>
        %gather3A_474 = tpu.vector_load_idx %arg10[%add3A_473] : memref<10368xf32, #tpu.memory_space<vmem>>[vector<16xi32>], vector<16xf32>,
        %gt3A_475 = arith.cmpf ogt, %gather3A_474, %select_n3A_466 : vector<16xf32>
        %select_n3A_476 = arith.select %gt3A_475, %gather3A_474, %select_n3A_466 : vector<16xi1>, vector<16xf32>
        %select_n3A_477 = arith.select %gt3A_475, %add3A_470, %select_n3A_467 : vector<16xi1>, vector<16xi32>
        %add3A_478 = arith.constant 1 : i32
        %add3A_479 = vector.broadcast %add3A_478 : i32 to vector<16xi32>
        %add3A_480 = arith.addi %add3A_470, %add3A_479 : vector<16xi32>
        %scan3A_481 = arith.constant 8 : i32
        %scan3A_482 = arith.addi %scan3A_399, %scan3A_481 : i32
        %add3A_483 = arith.addi %mul3A_32, %add3A_480 : vector<16xi32>
        %gather3A_484 = tpu.vector_load_idx %arg10[%add3A_483] : memref<10368xf32, #tpu.memory_space<vmem>>[vector<16xi32>], vector<16xf32>,
        %gt3A_485 = arith.cmpf ogt, %gather3A_484, %select_n3A_476 : vector<16xf32>
        %select_n3A_486 = arith.select %gt3A_485, %gather3A_484, %select_n3A_476 : vector<16xi1>, vector<16xf32>
        %select_n3A_487 = arith.select %gt3A_485, %add3A_480, %select_n3A_477 : vector<16xi1>, vector<16xi32>
        %add3A_488 = arith.constant 1 : i32
        %add3A_489 = vector.broadcast %add3A_488 : i32 to vector<16xi32>
        %add3A_490 = arith.addi %add3A_480, %add3A_489 : vector<16xi32>
        scf.yield %select_n3A_486, %select_n3A_487, %add3A_490 : vector<16xf32>, vector<16xi32>, vector<16xi32>
      }
      %scan3A_89 = arith.constant 81 : i32
      %scan3A_90 = arith.constant 0 : i32
      %scan3A_91 = arith.constant 81 : i32
      %scan3A_92 = arith.addi %scan3A_90, %scan3A_91 : i32
      %scan3A_93 = arith.constant 9 : i32
      %scan3A_94:2 = scf.for %scan3A_399 = %scan3A_90 to %scan3A_92 step %scan3A_93 iter_args(%scan3A_400 = %broadcast_in_dim3A_0, %scan3A_401 = %broadcast_in_dim3A_2) -> (vector<16xf32>, vector<16xi32>)  : i32 {
        %add3A_402 = arith.addi %mul3A_32, %scan3A_401 : vector<16xi32>
        %gather3A_403 = tpu.vector_load_idx %arg10[%add3A_402] : memref<10368xf32, #tpu.memory_space<vmem>>[vector<16xi32>], vector<16xf32>,
        %sub3A_404 = arith.subf %gather3A_403, %scan3A_88#0 : vector<16xf32>
        %exp3A = math.exp %sub3A_404 : vector<16xf32>
        %add3A_405 = arith.addf %scan3A_400, %exp3A : vector<16xf32>
        %add3A_406 = arith.constant 1 : i32
        %add3A_407 = vector.broadcast %add3A_406 : i32 to vector<16xi32>
        %add3A_408 = arith.addi %scan3A_401, %add3A_407 : vector<16xi32>
        %scan3A_409 = arith.constant 1 : i32
        %scan3A_410 = arith.addi %scan3A_399, %scan3A_409 : i32
        %add3A_411 = arith.addi %mul3A_32, %add3A_408 : vector<16xi32>
        %gather3A_412 = tpu.vector_load_idx %arg10[%add3A_411] : memref<10368xf32, #tpu.memory_space<vmem>>[vector<16xi32>], vector<16xf32>,
        %sub3A_413 = arith.subf %gather3A_412, %scan3A_88#0 : vector<16xf32>
        %exp3A_414 = math.exp %sub3A_413 : vector<16xf32>
        %add3A_415 = arith.addf %add3A_405, %exp3A_414 : vector<16xf32>
        %add3A_416 = arith.constant 1 : i32
        %add3A_417 = vector.broadcast %add3A_416 : i32 to vector<16xi32>
        %add3A_418 = arith.addi %add3A_408, %add3A_417 : vector<16xi32>
        %scan3A_419 = arith.constant 2 : i32
        %scan3A_420 = arith.addi %scan3A_399, %scan3A_419 : i32
        %add3A_421 = arith.addi %mul3A_32, %add3A_418 : vector<16xi32>
        %gather3A_422 = tpu.vector_load_idx %arg10[%add3A_421] : memref<10368xf32, #tpu.memory_space<vmem>>[vector<16xi32>], vector<16xf32>,
        %sub3A_423 = arith.subf %gather3A_422, %scan3A_88#0 : vector<16xf32>
        %exp3A_424 = math.exp %sub3A_423 : vector<16xf32>
        %add3A_425 = arith.addf %add3A_415, %exp3A_424 : vector<16xf32>
        %add3A_426 = arith.constant 1 : i32
        %add3A_427 = vector.broadcast %add3A_426 : i32 to vector<16xi32>
        %add3A_428 = arith.addi %add3A_418, %add3A_427 : vector<16xi32>
        %scan3A_429 = arith.constant 3 : i32
        %scan3A_430 = arith.addi %scan3A_399, %scan3A_429 : i32
        %add3A_431 = arith.addi %mul3A_32, %add3A_428 : vector<16xi32>
        %gather3A_432 = tpu.vector_load_idx %arg10[%add3A_431] : memref<10368xf32, #tpu.memory_space<vmem>>[vector<16xi32>], vector<16xf32>,
        %sub3A_433 = arith.subf %gather3A_432, %scan3A_88#0 : vector<16xf32>
        %exp3A_434 = math.exp %sub3A_433 : vector<16xf32>
        %add3A_435 = arith.addf %add3A_425, %exp3A_434 : vector<16xf32>
        %add3A_436 = arith.constant 1 : i32
        %add3A_437 = vector.broadcast %add3A_436 : i32 to vector<16xi32>
        %add3A_438 = arith.addi %add3A_428, %add3A_437 : vector<16xi32>
        %scan3A_439 = arith.constant 4 : i32
        %scan3A_440 = arith.addi %scan3A_399, %scan3A_439 : i32
        %add3A_441 = arith.addi %mul3A_32, %add3A_438 : vector<16xi32>
        %gather3A_442 = tpu.vector_load_idx %arg10[%add3A_441] : memref<10368xf32, #tpu.memory_space<vmem>>[vector<16xi32>], vector<16xf32>,
        %sub3A_443 = arith.subf %gather3A_442, %scan3A_88#0 : vector<16xf32>
        %exp3A_444 = math.exp %sub3A_443 : vector<16xf32>
        %add3A_445 = arith.addf %add3A_435, %exp3A_444 : vector<16xf32>
        %add3A_446 = arith.constant 1 : i32
        %add3A_447 = vector.broadcast %add3A_446 : i32 to vector<16xi32>
        %add3A_448 = arith.addi %add3A_438, %add3A_447 : vector<16xi32>
        %scan3A_449 = arith.constant 5 : i32
        %scan3A_450 = arith.addi %scan3A_399, %scan3A_449 : i32
        %add3A_451 = arith.addi %mul3A_32, %add3A_448 : vector<16xi32>
        %gather3A_452 = tpu.vector_load_idx %arg10[%add3A_451] : memref<10368xf32, #tpu.memory_space<vmem>>[vector<16xi32>], vector<16xf32>,
        %sub3A_453 = arith.subf %gather3A_452, %scan3A_88#0 : vector<16xf32>
        %exp3A_454 = math.exp %sub3A_453 : vector<16xf32>
        %add3A_455 = arith.addf %add3A_445, %exp3A_454 : vector<16xf32>
        %add3A_456 = arith.constant 1 : i32
        %add3A_457 = vector.broadcast %add3A_456 : i32 to vector<16xi32>
        %add3A_458 = arith.addi %add3A_448, %add3A_457 : vector<16xi32>
        %scan3A_459 = arith.constant 6 : i32
        %scan3A_460 = arith.addi %scan3A_399, %scan3A_459 : i32
        %add3A_461 = arith.addi %mul3A_32, %add3A_458 : vector<16xi32>
        %gather3A_462 = tpu.vector_load_idx %arg10[%add3A_461] : memref<10368xf32, #tpu.memory_space<vmem>>[vector<16xi32>], vector<16xf32>,
        %sub3A_463 = arith.subf %gather3A_462, %scan3A_88#0 : vector<16xf32>
        %exp3A_464 = math.exp %sub3A_463 : vector<16xf32>
        %add3A_465 = arith.addf %add3A_455, %exp3A_464 : vector<16xf32>
        %add3A_466 = arith.constant 1 : i32
        %add3A_467 = vector.broadcast %add3A_466 : i32 to vector<16xi32>
        %add3A_468 = arith.addi %add3A_458, %add3A_467 : vector<16xi32>
        %scan3A_469 = arith.constant 7 : i32
        %scan3A_470 = arith.addi %scan3A_399, %scan3A_469 : i32
        %add3A_471 = arith.addi %mul3A_32, %add3A_468 : vector<16xi32>
        %gather3A_472 = tpu.vector_load_idx %arg10[%add3A_471] : memref<10368xf32, #tpu.memory_space<vmem>>[vector<16xi32>], vector<16xf32>,
        %sub3A_473 = arith.subf %gather3A_472, %scan3A_88#0 : vector<16xf32>
        %exp3A_474 = math.exp %sub3A_473 : vector<16xf32>
        %add3A_475 = arith.addf %add3A_465, %exp3A_474 : vector<16xf32>
        %add3A_476 = arith.constant 1 : i32
        %add3A_477 = vector.broadcast %add3A_476 : i32 to vector<16xi32>
        %add3A_478 = arith.addi %add3A_468, %add3A_477 : vector<16xi32>
        %scan3A_479 = arith.constant 8 : i32
        %scan3A_480 = arith.addi %scan3A_399, %scan3A_479 : i32
        %add3A_481 = arith.addi %mul3A_32, %add3A_478 : vector<16xi32>
        %gather3A_482 = tpu.vector_load_idx %arg10[%add3A_481] : memref<10368xf32, #tpu.memory_space<vmem>>[vector<16xi32>], vector<16xf32>,
        %sub3A_483 = arith.subf %gather3A_482, %scan3A_88#0 : vector<16xf32>
        %exp3A_484 = math.exp %sub3A_483 : vector<16xf32>
        %add3A_485 = arith.addf %add3A_475, %exp3A_484 : vector<16xf32>
        %add3A_486 = arith.constant 1 : i32
        %add3A_487 = vector.broadcast %add3A_486 : i32 to vector<16xi32>
        %add3A_488 = arith.addi %add3A_478, %add3A_487 : vector<16xi32>
        scf.yield %add3A_485, %add3A_488 : vector<16xf32>, vector<16xi32>
      }
      %scan3A_95 = arith.constant 81 : i32
      %bitcast_convert_type3A = tpu.bitcast %scan3A_94#0 : vector<16xf32> -> vector<16xi32>
      %shift_right_arithmetic3A_96 = arith.constant 23 : i32
      %shift_right_arithmetic3A_97 = vector.broadcast %shift_right_arithmetic3A_96 : i32 to vector<16xi32>
      %shift_right_arithmetic3A_98 = arith.shrsi %bitcast_convert_type3A, %shift_right_arithmetic3A_97 : vector<16xi32>
      %and3A = arith.constant 255 : i32
      %and3A_99 = vector.broadcast %and3A : i32 to vector<16xi32>
      %and3A_100 = arith.andi %shift_right_arithmetic3A_98, %and3A_99 : vector<16xi32>
      %sub3A_101 = arith.constant 127 : i32
      %sub3A_102 = vector.broadcast %sub3A_101 : i32 to vector<16xi32>
      %sub3A_103 = arith.subi %and3A_100, %sub3A_102 : vector<16xi32>
      %and3A_104 = arith.constant 8388607 : i32
      %and3A_105 = vector.broadcast %and3A_104 : i32 to vector<16xi32>
      %and3A_106 = arith.andi %bitcast_convert_type3A, %and3A_105 : vector<16xi32>
      %or3A = arith.constant 1065353216 : i32
      %or3A_107 = vector.broadcast %or3A : i32 to vector<16xi32>
      %or3A_108 = arith.ori %and3A_106, %or3A_107 : vector<16xi32>
      %bitcast_convert_type3A_109 = tpu.bitcast %or3A_108 : vector<16xi32> -> vector<16xf32>
      %gt3A_110 = arith.constant 1.41421354 : f32
      %gt3A_111 = vector.broadcast %gt3A_110 : f32 to vector<16xf32>
      %gt3A_112 = arith.cmpf ogt, %bitcast_convert_type3A_109, %gt3A_111 : vector<16xf32>
      %mul3A_113 = arith.constant 5.000000e-01 : f32
      %mul3A_114 = vector.broadcast %mul3A_113 : f32 to vector<16xf32>
      %mul3A_115 = arith.mulf %bitcast_convert_type3A_109, %mul3A_114 : vector<16xf32>
      %select_n3A = arith.select %gt3A_112, %mul3A_115, %bitcast_convert_type3A_109 : vector<16xi1>, vector<16xf32>
      %jit3A = arith.constant 1 : i32
      %jit3A_116 = arith.constant 0 : i32
      %broadcast_in_dim3A_117 = vector.broadcast %jit3A : i32 to vector<16xi32>
      %broadcast_in_dim3A_118 = vector.broadcast %jit3A_116 : i32 to vector<16xi32>
      %select_n3A_119 = arith.select %gt3A_112, %broadcast_in_dim3A_117, %broadcast_in_dim3A_118 : vector<16xi1>, vector<16xi32>
      %add3A_120 = arith.addi %sub3A_103, %select_n3A_119 : vector<16xi32>
      %convert_element_type3A_121 = arith.sitofp %add3A_120 : vector<16xi32> to vector<16xf32>
      %sub3A_122 = arith.constant 1.000000e+00 : f32
      %sub3A_123 = vector.broadcast %sub3A_122 : f32 to vector<16xf32>
      %sub3A_124 = arith.subf %select_n3A, %sub3A_123 : vector<16xf32>
      %add3A_125 = arith.constant 1.000000e+00 : f32
      %add3A_126 = vector.broadcast %add3A_125 : f32 to vector<16xf32>
      %add3A_127 = arith.addf %select_n3A, %add3A_126 : vector<16xf32>
      %div3A = arith.divf %sub3A_124, %add3A_127 : vector<16xf32>
      %mul3A_128 = arith.mulf %div3A, %div3A : vector<16xf32>
      %mul3A_129 = arith.constant 0.111111112 : f32
      %mul3A_130 = vector.broadcast %mul3A_129 : f32 to vector<16xf32>
      %mul3A_131 = arith.mulf %mul3A_130, %mul3A_128 : vector<16xf32>
      %add3A_132 = arith.constant 0.142857149 : f32
      %add3A_133 = vector.broadcast %add3A_132 : f32 to vector<16xf32>
      %add3A_134 = arith.addf %mul3A_131, %add3A_133 : vector<16xf32>
      %mul3A_135 = arith.mulf %add3A_134, %mul3A_128 : vector<16xf32>
      %add3A_136 = arith.constant 2.000000e-01 : f32
      %add3A_137 = vector.broadcast %add3A_136 : f32 to vector<16xf32>
      %add3A_138 = arith.addf %mul3A_135, %add3A_137 : vector<16xf32>
      %mul3A_139 = arith.mulf %add3A_138, %mul3A_128 : vector<16xf32>
      %add3A_140 = arith.constant 0.333333343 : f32
      %add3A_141 = vector.broadcast %add3A_140 : f32 to vector<16xf32>
      %add3A_142 = arith.addf %mul3A_139, %add3A_141 : vector<16xf32>
      %mul3A_143 = arith.mulf %add3A_142, %mul3A_128 : vector<16xf32>
      %add3A_144 = arith.constant 1.000000e+00 : f32
      %add3A_145 = vector.broadcast %add3A_144 : f32 to vector<16xf32>
      %add3A_146 = arith.addf %mul3A_143, %add3A_145 : vector<16xf32>
      %mul3A_147 = arith.constant 2.000000e+00 : f32
      %mul3A_148 = vector.broadcast %mul3A_147 : f32 to vector<16xf32>
      %mul3A_149 = arith.mulf %mul3A_148, %div3A : vector<16xf32>
      %mul3A_150 = arith.mulf %mul3A_149, %add3A_146 : vector<16xf32>
      %mul3A_151 = arith.constant 0.693147182 : f32
      %mul3A_152 = vector.broadcast %mul3A_151 : f32 to vector<16xf32>
      %mul3A_153 = arith.mulf %convert_element_type3A_121, %mul3A_152 : vector<16xf32>
      %add3A_154 = arith.addf %mul3A_150, %mul3A_153 : vector<16xf32>
      %add3A_155 = arith.addf %scan3A_88#0, %add3A_154 : vector<16xf32>
      %sub3A_156 = arith.subf %add3A_155, %gather3A_80 : vector<16xf32>
      %eq3A_157 = arith.cmpi eq, %scan3A_88#1, %gather3A_78 : vector<16xi32>
      %jit3A_158 = arith.constant 1.000000e+00 : f32
      %jit3A_159 = arith.constant 0.000000e+00 : f32
      %broadcast_in_dim3A_160 = vector.broadcast %jit3A_158 : f32 to vector<16xf32>
      %broadcast_in_dim3A_161 = vector.broadcast %jit3A_159 : f32 to vector<16xf32>
      %select_n3A_162 = arith.select %eq3A_157, %broadcast_in_dim3A_160, %broadcast_in_dim3A_161 : vector<16xi1>, vector<16xf32>
      %mul3A_163 = arith.constant 6.250000e-02 : f32
      %mul3A_164 = vector.broadcast %mul3A_163 : f32 to vector<16xf32>
      %mul3A_165 = arith.mulf %gather3A_65, %mul3A_164 : vector<16xf32>
      %add3A_166 = arith.constant 5.000000e-01 : f32
      %add3A_167 = vector.broadcast %add3A_166 : f32 to vector<16xf32>
      %add3A_168 = arith.addf %mul3A_165, %add3A_167 : vector<16xf32>
      %convert_element_type3A_169 = arith.fptosi %add3A_168 : vector<16xf32> to vector<16xi32>
      %convert_element_type3A_170 = arith.sitofp %convert_element_type3A_169 : vector<16xi32> to vector<16xf32>
      %lt3A = arith.cmpf olt, %add3A_168, %convert_element_type3A_170 : vector<16xf32>
      %sub3A_171 = arith.constant 1 : i32
      %sub3A_172 = vector.broadcast %sub3A_171 : i32 to vector<16xi32>
      %sub3A_173 = arith.subi %convert_element_type3A_169, %sub3A_172 : vector<16xi32>
      %select_n3A_174 = arith.select %lt3A, %sub3A_173, %convert_element_type3A_169 : vector<16xi1>, vector<16xi32>
      %sub3A_175 = arith.constant 1.000000e+00 : f32
      %sub3A_176 = vector.broadcast %sub3A_175 : f32 to vector<16xf32>
      %sub3A_177 = arith.subf %convert_element_type3A_170, %sub3A_176 : vector<16xf32>
      %select_n3A_178 = arith.select %lt3A, %sub3A_177, %convert_element_type3A_170 : vector<16xi1>, vector<16xf32>
      %eq3A_179 = arith.cmpf oeq, %select_n3A_178, %add3A_168 : vector<16xf32>
      %and3A_180 = arith.constant 1 : i32
      %and3A_181 = vector.broadcast %and3A_180 : i32 to vector<16xi32>
      %and3A_182 = arith.andi %select_n3A_174, %and3A_181 : vector<16xi32>
      %eq3A_183 = arith.constant 1 : i32
      %eq3A_184 = vector.broadcast %eq3A_183 : i32 to vector<16xi32>
      %eq3A_185 = arith.cmpi eq, %and3A_182, %eq3A_184 : vector<16xi32>
      %and3A_186 = arith.andi %eq3A_179, %eq3A_185 : vector<16xi1>
      %sub3A_187 = arith.constant 1.000000e+00 : f32
      %sub3A_188 = vector.broadcast %sub3A_187 : f32 to vector<16xf32>
      %sub3A_189 = arith.subf %select_n3A_178, %sub3A_188 : vector<16xf32>
      %select_n3A_190 = arith.select %and3A_186, %sub3A_189, %select_n3A_178 : vector<16xi1>, vector<16xf32>
      %mul3A_191 = arith.constant 1.600000e+01 : f32
      %mul3A_192 = vector.broadcast %mul3A_191 : f32 to vector<16xf32>
      %mul3A_193 = arith.mulf %select_n3A_190, %mul3A_192 : vector<16xf32>
      %mul3A_194 = arith.constant 6.250000e-02 : f32
      %mul3A_195 = vector.broadcast %mul3A_194 : f32 to vector<16xf32>
      %mul3A_196 = arith.mulf %gather3A_69, %mul3A_195 : vector<16xf32>
      %add3A_197 = arith.constant 5.000000e-01 : f32
      %add3A_198 = vector.broadcast %add3A_197 : f32 to vector<16xf32>
      %add3A_199 = arith.addf %mul3A_196, %add3A_198 : vector<16xf32>
      %convert_element_type3A_200 = arith.fptosi %add3A_199 : vector<16xf32> to vector<16xi32>
      %convert_element_type3A_201 = arith.sitofp %convert_element_type3A_200 : vector<16xi32> to vector<16xf32>
      %lt3A_202 = arith.cmpf olt, %add3A_199, %convert_element_type3A_201 : vector<16xf32>
      %sub3A_203 = arith.constant 1 : i32
      %sub3A_204 = vector.broadcast %sub3A_203 : i32 to vector<16xi32>
      %sub3A_205 = arith.subi %convert_element_type3A_200, %sub3A_204 : vector<16xi32>
      %select_n3A_206 = arith.select %lt3A_202, %sub3A_205, %convert_element_type3A_200 : vector<16xi1>, vector<16xi32>
      %sub3A_207 = arith.constant 1.000000e+00 : f32
      %sub3A_208 = vector.broadcast %sub3A_207 : f32 to vector<16xf32>
      %sub3A_209 = arith.subf %convert_element_type3A_201, %sub3A_208 : vector<16xf32>
      %select_n3A_210 = arith.select %lt3A_202, %sub3A_209, %convert_element_type3A_201 : vector<16xi1>, vector<16xf32>
      %eq3A_211 = arith.cmpf oeq, %select_n3A_210, %add3A_199 : vector<16xf32>
      %and3A_212 = arith.constant 1 : i32
      %and3A_213 = vector.broadcast %and3A_212 : i32 to vector<16xi32>
      %and3A_214 = arith.andi %select_n3A_206, %and3A_213 : vector<16xi32>
      %eq3A_215 = arith.constant 1 : i32
      %eq3A_216 = vector.broadcast %eq3A_215 : i32 to vector<16xi32>
      %eq3A_217 = arith.cmpi eq, %and3A_214, %eq3A_216 : vector<16xi32>
      %and3A_218 = arith.andi %eq3A_211, %eq3A_217 : vector<16xi1>
      %sub3A_219 = arith.constant 1.000000e+00 : f32
      %sub3A_220 = vector.broadcast %sub3A_219 : f32 to vector<16xf32>
      %sub3A_221 = arith.subf %select_n3A_210, %sub3A_220 : vector<16xf32>
      %select_n3A_222 = arith.select %and3A_218, %sub3A_221, %select_n3A_210 : vector<16xi1>, vector<16xf32>
      %mul3A_223 = arith.constant 1.600000e+01 : f32
      %mul3A_224 = vector.broadcast %mul3A_223 : f32 to vector<16xf32>
      %mul3A_225 = arith.mulf %select_n3A_222, %mul3A_224 : vector<16xf32>
      %mul3A_226 = arith.constant 6.250000e-02 : f32
      %mul3A_227 = vector.broadcast %mul3A_226 : f32 to vector<16xf32>
      %mul3A_228 = arith.mulf %gather3A_73, %mul3A_227 : vector<16xf32>
      %add3A_229 = arith.constant 5.000000e-01 : f32
      %add3A_230 = vector.broadcast %add3A_229 : f32 to vector<16xf32>
      %add3A_231 = arith.addf %mul3A_228, %add3A_230 : vector<16xf32>
      %convert_element_type3A_232 = arith.fptosi %add3A_231 : vector<16xf32> to vector<16xi32>
      %convert_element_type3A_233 = arith.sitofp %convert_element_type3A_232 : vector<16xi32> to vector<16xf32>
      %lt3A_234 = arith.cmpf olt, %add3A_231, %convert_element_type3A_233 : vector<16xf32>
      %sub3A_235 = arith.constant 1 : i32
      %sub3A_236 = vector.broadcast %sub3A_235 : i32 to vector<16xi32>
      %sub3A_237 = arith.subi %convert_element_type3A_232, %sub3A_236 : vector<16xi32>
      %select_n3A_238 = arith.select %lt3A_234, %sub3A_237, %convert_element_type3A_232 : vector<16xi1>, vector<16xi32>
      %sub3A_239 = arith.constant 1.000000e+00 : f32
      %sub3A_240 = vector.broadcast %sub3A_239 : f32 to vector<16xf32>
      %sub3A_241 = arith.subf %convert_element_type3A_233, %sub3A_240 : vector<16xf32>
      %select_n3A_242 = arith.select %lt3A_234, %sub3A_241, %convert_element_type3A_233 : vector<16xi1>, vector<16xf32>
      %eq3A_243 = arith.cmpf oeq, %select_n3A_242, %add3A_231 : vector<16xf32>
      %and3A_244 = arith.constant 1 : i32
      %and3A_245 = vector.broadcast %and3A_244 : i32 to vector<16xi32>
      %and3A_246 = arith.andi %select_n3A_238, %and3A_245 : vector<16xi32>
      %eq3A_247 = arith.constant 1 : i32
      %eq3A_248 = vector.broadcast %eq3A_247 : i32 to vector<16xi32>
      %eq3A_249 = arith.cmpi eq, %and3A_246, %eq3A_248 : vector<16xi32>
      %and3A_250 = arith.andi %eq3A_243, %eq3A_249 : vector<16xi1>
      %sub3A_251 = arith.constant 1.000000e+00 : f32
      %sub3A_252 = vector.broadcast %sub3A_251 : f32 to vector<16xf32>
      %sub3A_253 = arith.subf %select_n3A_242, %sub3A_252 : vector<16xf32>
      %select_n3A_254 = arith.select %and3A_250, %sub3A_253, %select_n3A_242 : vector<16xi1>, vector<16xf32>
      %mul3A_255 = arith.constant 1.600000e+01 : f32
      %mul3A_256 = vector.broadcast %mul3A_255 : f32 to vector<16xf32>
      %mul3A_257 = arith.mulf %select_n3A_254, %mul3A_256 : vector<16xf32>
      %mul3A_258 = arith.constant 6.250000e-02 : f32
      %mul3A_259 = vector.broadcast %mul3A_258 : f32 to vector<16xf32>
      %mul3A_260 = arith.mulf %gather3A_77, %mul3A_259 : vector<16xf32>
      %add3A_261 = arith.constant 5.000000e-01 : f32
      %add3A_262 = vector.broadcast %add3A_261 : f32 to vector<16xf32>
      %add3A_263 = arith.addf %mul3A_260, %add3A_262 : vector<16xf32>
      %convert_element_type3A_264 = arith.fptosi %add3A_263 : vector<16xf32> to vector<16xi32>
      %convert_element_type3A_265 = arith.sitofp %convert_element_type3A_264 : vector<16xi32> to vector<16xf32>
      %lt3A_266 = arith.cmpf olt, %add3A_263, %convert_element_type3A_265 : vector<16xf32>
      %sub3A_267 = arith.constant 1 : i32
      %sub3A_268 = vector.broadcast %sub3A_267 : i32 to vector<16xi32>
      %sub3A_269 = arith.subi %convert_element_type3A_264, %sub3A_268 : vector<16xi32>
      %select_n3A_270 = arith.select %lt3A_266, %sub3A_269, %convert_element_type3A_264 : vector<16xi1>, vector<16xi32>
      %sub3A_271 = arith.constant 1.000000e+00 : f32
      %sub3A_272 = vector.broadcast %sub3A_271 : f32 to vector<16xf32>
      %sub3A_273 = arith.subf %convert_element_type3A_265, %sub3A_272 : vector<16xf32>
      %select_n3A_274 = arith.select %lt3A_266, %sub3A_273, %convert_element_type3A_265 : vector<16xi1>, vector<16xf32>
      %eq3A_275 = arith.cmpf oeq, %select_n3A_274, %add3A_263 : vector<16xf32>
      %and3A_276 = arith.constant 1 : i32
      %and3A_277 = vector.broadcast %and3A_276 : i32 to vector<16xi32>
      %and3A_278 = arith.andi %select_n3A_270, %and3A_277 : vector<16xi32>
      %eq3A_279 = arith.constant 1 : i32
      %eq3A_280 = vector.broadcast %eq3A_279 : i32 to vector<16xi32>
      %eq3A_281 = arith.cmpi eq, %and3A_278, %eq3A_280 : vector<16xi32>
      %and3A_282 = arith.andi %eq3A_275, %eq3A_281 : vector<16xi1>
      %sub3A_283 = arith.constant 1.000000e+00 : f32
      %sub3A_284 = vector.broadcast %sub3A_283 : f32 to vector<16xf32>
      %sub3A_285 = arith.subf %select_n3A_274, %sub3A_284 : vector<16xf32>
      %select_n3A_286 = arith.select %and3A_282, %sub3A_285, %select_n3A_274 : vector<16xi1>, vector<16xf32>
      %mul3A_287 = arith.constant 1.600000e+01 : f32
      %mul3A_288 = vector.broadcast %mul3A_287 : f32 to vector<16xf32>
      %mul3A_289 = arith.mulf %select_n3A_286, %mul3A_288 : vector<16xf32>
      %sub3A_290 = arith.subf %mul3A_257, %mul3A_193 : vector<16xf32>
      %sub3A_291 = arith.subf %mul3A_289, %mul3A_225 : vector<16xf32>
      %abs3A = math.absf %sub3A_290 : vector<16xf32>
      %gt3A_292 = arith.constant 9.99999997E-7 : f32
      %gt3A_293 = vector.broadcast %gt3A_292 : f32 to vector<16xf32>
      %gt3A_294 = arith.cmpf ogt, %abs3A, %gt3A_293 : vector<16xf32>
      %jit3A_295 = arith.constant 1.000000e+00 : f32
      %broadcast_in_dim3A_296 = vector.broadcast %jit3A_295 : f32 to vector<16xf32>
      %select_n3A_297 = arith.select %gt3A_294, %sub3A_290, %broadcast_in_dim3A_296 : vector<16xi1>, vector<16xf32>
      %abs3A_298 = math.absf %sub3A_291 : vector<16xf32>
      %gt3A_299 = arith.constant 9.99999997E-7 : f32
      %gt3A_300 = vector.broadcast %gt3A_299 : f32 to vector<16xf32>
      %gt3A_301 = arith.cmpf ogt, %abs3A_298, %gt3A_300 : vector<16xf32>
      %jit3A_302 = arith.constant 1.000000e+00 : f32
      %broadcast_in_dim3A_303 = vector.broadcast %jit3A_302 : f32 to vector<16xf32>
      %select_n3A_304 = arith.select %gt3A_301, %sub3A_291, %broadcast_in_dim3A_303 : vector<16xi1>, vector<16xf32>
      %gather3A_305 = tpu.vector_load_idx %arg9[%mul3A_29] : memref<512xf32, #tpu.memory_space<vmem>>[vector<16xi32>], vector<16xf32>,
      %add3A_306 = arith.constant 1 : i32
      %add3A_307 = vector.broadcast %add3A_306 : i32 to vector<16xi32>
      %add3A_308 = arith.addi %mul3A_29, %add3A_307 : vector<16xi32>
      %gather3A_309 = tpu.vector_load_idx %arg9[%add3A_308] : memref<512xf32, #tpu.memory_space<vmem>>[vector<16xi32>], vector<16xf32>,
      %add3A_310 = arith.constant 2 : i32
      %add3A_311 = vector.broadcast %add3A_310 : i32 to vector<16xi32>
      %add3A_312 = arith.addi %mul3A_29, %add3A_311 : vector<16xi32>
      %gather3A_313 = tpu.vector_load_idx %arg9[%add3A_312] : memref<512xf32, #tpu.memory_space<vmem>>[vector<16xi32>], vector<16xf32>,
      %add3A_314 = arith.constant 3 : i32
      %add3A_315 = vector.broadcast %add3A_314 : i32 to vector<16xi32>
      %add3A_316 = arith.addi %mul3A_29, %add3A_315 : vector<16xi32>
      %gather3A_317 = tpu.vector_load_idx %arg9[%add3A_316] : memref<512xf32, #tpu.memory_space<vmem>>[vector<16xi32>], vector<16xf32>,
      %sub3A_318 = arith.subf %gather3A_65, %mul3A_193 : vector<16xf32>
      %div3A_319 = arith.divf %sub3A_318, %select_n3A_297 : vector<16xf32>
      %sub3A_320 = arith.subf %gather3A_305, %div3A_319 : vector<16xf32>
      %abs3A_321 = math.absf %sub3A_320 : vector<16xf32>
      %lt3A_322 = arith.constant 1.000000e+00 : f32
      %lt3A_323 = vector.broadcast %lt3A_322 : f32 to vector<16xf32>
      %lt3A_324 = arith.cmpf olt, %abs3A_321, %lt3A_323 : vector<16xf32>
      %mul3A_325 = arith.constant 5.000000e-01 : f32
      %mul3A_326 = vector.broadcast %mul3A_325 : f32 to vector<16xf32>
      %mul3A_327 = arith.mulf %mul3A_326, %sub3A_320 : vector<16xf32>
      %mul3A_328 = arith.mulf %mul3A_327, %sub3A_320 : vector<16xf32>
      %sub3A_329 = arith.constant 5.000000e-01 : f32
      %sub3A_330 = vector.broadcast %sub3A_329 : f32 to vector<16xf32>
      %sub3A_331 = arith.subf %abs3A_321, %sub3A_330 : vector<16xf32>
      %select_n3A_332 = arith.select %lt3A_324, %mul3A_328, %sub3A_331 : vector<16xi1>, vector<16xf32>
      %sub3A_333 = arith.subf %gather3A_69, %mul3A_225 : vector<16xf32>
      %div3A_334 = arith.divf %sub3A_333, %select_n3A_304 : vector<16xf32>
      %sub3A_335 = arith.subf %gather3A_309, %div3A_334 : vector<16xf32>
      %abs3A_336 = math.absf %sub3A_335 : vector<16xf32>
      %lt3A_337 = arith.constant 1.000000e+00 : f32
      %lt3A_338 = vector.broadcast %lt3A_337 : f32 to vector<16xf32>
      %lt3A_339 = arith.cmpf olt, %abs3A_336, %lt3A_338 : vector<16xf32>
      %mul3A_340 = arith.constant 5.000000e-01 : f32
      %mul3A_341 = vector.broadcast %mul3A_340 : f32 to vector<16xf32>
      %mul3A_342 = arith.mulf %mul3A_341, %sub3A_335 : vector<16xf32>
      %mul3A_343 = arith.mulf %mul3A_342, %sub3A_335 : vector<16xf32>
      %sub3A_344 = arith.constant 5.000000e-01 : f32
      %sub3A_345 = vector.broadcast %sub3A_344 : f32 to vector<16xf32>
      %sub3A_346 = arith.subf %abs3A_336, %sub3A_345 : vector<16xf32>
      %select_n3A_347 = arith.select %lt3A_339, %mul3A_343, %sub3A_346 : vector<16xi1>, vector<16xf32>
      %add3A_348 = arith.addf %select_n3A_332, %select_n3A_347 : vector<16xf32>
      %sub3A_349 = arith.subf %gather3A_73, %mul3A_257 : vector<16xf32>
      %div3A_350 = arith.divf %sub3A_349, %select_n3A_297 : vector<16xf32>
      %sub3A_351 = arith.subf %gather3A_313, %div3A_350 : vector<16xf32>
      %abs3A_352 = math.absf %sub3A_351 : vector<16xf32>
      %lt3A_353 = arith.constant 1.000000e+00 : f32
      %lt3A_354 = vector.broadcast %lt3A_353 : f32 to vector<16xf32>
      %lt3A_355 = arith.cmpf olt, %abs3A_352, %lt3A_354 : vector<16xf32>
      %mul3A_356 = arith.constant 5.000000e-01 : f32
      %mul3A_357 = vector.broadcast %mul3A_356 : f32 to vector<16xf32>
      %mul3A_358 = arith.mulf %mul3A_357, %sub3A_351 : vector<16xf32>
      %mul3A_359 = arith.mulf %mul3A_358, %sub3A_351 : vector<16xf32>
      %sub3A_360 = arith.constant 5.000000e-01 : f32
      %sub3A_361 = vector.broadcast %sub3A_360 : f32 to vector<16xf32>
      %sub3A_362 = arith.subf %abs3A_352, %sub3A_361 : vector<16xf32>
      %select_n3A_363 = arith.select %lt3A_355, %mul3A_359, %sub3A_362 : vector<16xi1>, vector<16xf32>
      %add3A_364 = arith.addf %add3A_348, %select_n3A_363 : vector<16xf32>
      %sub3A_365 = arith.subf %gather3A_77, %mul3A_289 : vector<16xf32>
      %div3A_366 = arith.divf %sub3A_365, %select_n3A_304 : vector<16xf32>
      %sub3A_367 = arith.subf %gather3A_317, %div3A_366 : vector<16xf32>
      %abs3A_368 = math.absf %sub3A_367 : vector<16xf32>
      %lt3A_369 = arith.constant 1.000000e+00 : f32
      %lt3A_370 = vector.broadcast %lt3A_369 : f32 to vector<16xf32>
      %lt3A_371 = arith.cmpf olt, %abs3A_368, %lt3A_370 : vector<16xf32>
      %mul3A_372 = arith.constant 5.000000e-01 : f32
      %mul3A_373 = vector.broadcast %mul3A_372 : f32 to vector<16xf32>
      %mul3A_374 = arith.mulf %mul3A_373, %sub3A_367 : vector<16xf32>
      %mul3A_375 = arith.mulf %mul3A_374, %sub3A_367 : vector<16xf32>
      %sub3A_376 = arith.constant 5.000000e-01 : f32
      %sub3A_377 = vector.broadcast %sub3A_376 : f32 to vector<16xf32>
      %sub3A_378 = arith.subf %abs3A_368, %sub3A_377 : vector<16xf32>
      %select_n3A_379 = arith.select %lt3A_371, %mul3A_375, %sub3A_378 : vector<16xi1>, vector<16xf32>
      %add3A_380 = arith.addf %add3A_364, %select_n3A_379 : vector<16xf32>
      %jit3A_381 = arith.constant 1.000000e+00 : f32
      %jit3A_382 = arith.constant 0.000000e+00 : f32
      %broadcast_in_dim3A_383 = vector.broadcast %jit3A_381 : f32 to vector<16xf32>
      %broadcast_in_dim3A_384 = vector.broadcast %jit3A_382 : f32 to vector<16xf32>
      %select_n3A_385 = arith.select %gt3A_64, %broadcast_in_dim3A_383, %broadcast_in_dim3A_384 : vector<16xi1>, vector<16xf32>
      %add3A_386 = arith.addf %scan3A_21, %select_n3A_385 : vector<16xf32>
      %jit3A_387 = arith.constant 0.000000e+00 : f32
      %broadcast_in_dim3A_388 = vector.broadcast %jit3A_387 : f32 to vector<16xf32>
      %select_n3A_389 = arith.select %gt3A_64, %sub3A_156, %broadcast_in_dim3A_388 : vector<16xi1>, vector<16xf32>
      %add3A_390 = arith.addf %scan3A_22, %select_n3A_389 : vector<16xf32>
      %jit3A_391 = arith.constant 0.000000e+00 : f32
      %broadcast_in_dim3A_392 = vector.broadcast %jit3A_391 : f32 to vector<16xf32>
      %select_n3A_393 = arith.select %gt3A_64, %select_n3A_162, %broadcast_in_dim3A_392 : vector<16xi1>, vector<16xf32>
      %add3A_394 = arith.addf %scan3A_23, %select_n3A_393 : vector<16xf32>
      %jit3A_395 = arith.constant 0.000000e+00 : f32
      %broadcast_in_dim3A_396 = vector.broadcast %jit3A_395 : f32 to vector<16xf32>
      %select_n3A_397 = arith.select %gt3A_64, %add3A_380, %broadcast_in_dim3A_396 : vector<16xi1>, vector<16xf32>
      %add3A_398 = arith.addf %scan3A_24, %select_n3A_397 : vector<16xf32>
      scf.yield %add3A_386, %add3A_390, %add3A_394, %add3A_398 : vector<16xf32>, vector<16xf32>, vector<16xf32>, vector<16xf32>
    }
    %scan3A_7 = arith.constant 8 : i32
    %swap3A = arith.constant 0 : index
    %swap3A_8 = tpu.vector_load %arg13[%swap3A] {strides = array<i32>} : memref<16xf32, #tpu.memory_space<vmem>>, vector<16xf32>,
    tpu.vector_store %arg13[%swap3A], %scan3A_6#0 {strides = array<i32>} : memref<16xf32, #tpu.memory_space<vmem>>, vector<16xf32>,
    %run_scoped3A = arith.constant 1 : i32
    "tpu.region"() ({
      %run_scoped3A_20 = tpu.sem_alloc : memref<!tpu.dma_semaphore, #tpu.memory_space<semaphore_mem>>
      %dma_start3A = arith.constant 0 : i32
      %dma_start3A_21 = arith.constant 0 : i32
      %dma_start3A_22 = tpu.memref_slice %arg16[%run_scoped3A, %dma_start3A, %dma_start3A_21] : memref<5x16x16xf32, #tpu.memory_space<vmem_shared>> -> memref<1x16x16xf32, #tpu.memory_space<vmem_shared>>
      %dma_start3A_23 = tpu.memref_squeeze %dma_start3A_22 : memref<1x16x16xf32, #tpu.memory_space<vmem_shared>> -> memref<16x16xf32, #tpu.memory_space<vmem_shared>>
      %dma_start3A_24 = arith.constant 0 : i32
      %dma_start3A_25 = tpu.memref_slice %dma_start3A_23[%arg1, %dma_start3A_24] : memref<16x16xf32, #tpu.memory_space<vmem_shared>> -> memref<1x16xf32, #tpu.memory_space<vmem_shared>>
      %dma_start3A_26 = tpu.memref_squeeze %dma_start3A_25 : memref<1x16xf32, #tpu.memory_space<vmem_shared>> -> memref<16xf32, #tpu.memory_space<vmem_shared>>
      %dma_start3A_27 = arith.constant 0 : i32
      %dma_start3A_28 = arith.constant 0 : i32
      %dma_start3A_29 = tpu.memref_slice %arg16[%run_scoped3A, %dma_start3A_27, %dma_start3A_28] : memref<5x16x16xf32, #tpu.memory_space<vmem_shared>> -> memref<1x16x16xf32, #tpu.memory_space<vmem_shared>>
      %dma_start3A_30 = tpu.memref_squeeze %dma_start3A_29 : memref<1x16x16xf32, #tpu.memory_space<vmem_shared>> -> memref<16x16xf32, #tpu.memory_space<vmem_shared>>
      %dma_start3A_31 = arith.constant 0 : i32
      %dma_start3A_32 = tpu.memref_slice %dma_start3A_30[%arg1, %dma_start3A_31] : memref<16x16xf32, #tpu.memory_space<vmem_shared>> -> memref<1x16xf32, #tpu.memory_space<vmem_shared>>
      %dma_start3A_33 = tpu.memref_squeeze %dma_start3A_32 : memref<1x16xf32, #tpu.memory_space<vmem_shared>> -> memref<16xf32, #tpu.memory_space<vmem_shared>>
      tpu.enqueue_dma source(%arg13 : memref<16xf32, #tpu.memory_space<vmem>>) target(%dma_start3A_33 : memref<16xf32, #tpu.memory_space<vmem_shared>>) target_semaphore(%run_scoped3A_20 : memref<!tpu.dma_semaphore, #tpu.memory_space<semaphore_mem>>)
      %dma_wait3A = arith.constant 0 : i32
      %dma_wait3A_34 = arith.constant 0 : i32
      %dma_wait3A_35 = tpu.memref_slice %arg16[%run_scoped3A, %dma_wait3A, %dma_wait3A_34] : memref<5x16x16xf32, #tpu.memory_space<vmem_shared>> -> memref<1x16x16xf32, #tpu.memory_space<vmem_shared>>
      %dma_wait3A_36 = tpu.memref_squeeze %dma_wait3A_35 : memref<1x16x16xf32, #tpu.memory_space<vmem_shared>> -> memref<16x16xf32, #tpu.memory_space<vmem_shared>>
      %dma_wait3A_37 = arith.constant 0 : i32
      %dma_wait3A_38 = tpu.memref_slice %dma_wait3A_36[%arg1, %dma_wait3A_37] : memref<16x16xf32, #tpu.memory_space<vmem_shared>> -> memref<1x16xf32, #tpu.memory_space<vmem_shared>>
      %dma_wait3A_39 = tpu.memref_squeeze %dma_wait3A_38 : memref<1x16xf32, #tpu.memory_space<vmem_shared>> -> memref<16xf32, #tpu.memory_space<vmem_shared>>
      %dma_wait3A_40 = arith.constant 0 : i32
      %dma_wait3A_41 = arith.constant 0 : i32
      %dma_wait3A_42 = tpu.memref_slice %arg16[%run_scoped3A, %dma_wait3A_40, %dma_wait3A_41] : memref<5x16x16xf32, #tpu.memory_space<vmem_shared>> -> memref<1x16x16xf32, #tpu.memory_space<vmem_shared>>
      %dma_wait3A_43 = tpu.memref_squeeze %dma_wait3A_42 : memref<1x16x16xf32, #tpu.memory_space<vmem_shared>> -> memref<16x16xf32, #tpu.memory_space<vmem_shared>>
      %dma_wait3A_44 = arith.constant 0 : i32
      %dma_wait3A_45 = tpu.memref_slice %dma_wait3A_43[%arg1, %dma_wait3A_44] : memref<16x16xf32, #tpu.memory_space<vmem_shared>> -> memref<1x16xf32, #tpu.memory_space<vmem_shared>>
      %dma_wait3A_46 = tpu.memref_squeeze %dma_wait3A_45 : memref<1x16xf32, #tpu.memory_space<vmem_shared>> -> memref<16xf32, #tpu.memory_space<vmem_shared>>
      tpu.wait_dma2 semaphore(%run_scoped3A_20 : memref<!tpu.dma_semaphore, #tpu.memory_space<semaphore_mem>>) src(%arg13 : memref<16xf32, #tpu.memory_space<vmem>>) dst(%dma_wait3A_46 : memref<16xf32, #tpu.memory_space<vmem_shared>>)
      tpu.yield
    }) : () -> ()
    %swap3A_9 = arith.constant 0 : index
    %swap3A_10 = tpu.vector_load %arg13[%swap3A_9] {strides = array<i32>} : memref<16xf32, #tpu.memory_space<vmem>>, vector<16xf32>,
    tpu.vector_store %arg13[%swap3A_9], %scan3A_6#1 {strides = array<i32>} : memref<16xf32, #tpu.memory_space<vmem>>, vector<16xf32>,
    %run_scoped3A_11 = arith.constant 2 : i32
    "tpu.region"() ({
      %run_scoped3A_20 = tpu.sem_alloc : memref<!tpu.dma_semaphore, #tpu.memory_space<semaphore_mem>>
      %dma_start3A = arith.constant 0 : i32
      %dma_start3A_21 = arith.constant 0 : i32
      %dma_start3A_22 = tpu.memref_slice %arg16[%run_scoped3A_11, %dma_start3A, %dma_start3A_21] : memref<5x16x16xf32, #tpu.memory_space<vmem_shared>> -> memref<1x16x16xf32, #tpu.memory_space<vmem_shared>>
      %dma_start3A_23 = tpu.memref_squeeze %dma_start3A_22 : memref<1x16x16xf32, #tpu.memory_space<vmem_shared>> -> memref<16x16xf32, #tpu.memory_space<vmem_shared>>
      %dma_start3A_24 = arith.constant 0 : i32
      %dma_start3A_25 = tpu.memref_slice %dma_start3A_23[%arg1, %dma_start3A_24] : memref<16x16xf32, #tpu.memory_space<vmem_shared>> -> memref<1x16xf32, #tpu.memory_space<vmem_shared>>
      %dma_start3A_26 = tpu.memref_squeeze %dma_start3A_25 : memref<1x16xf32, #tpu.memory_space<vmem_shared>> -> memref<16xf32, #tpu.memory_space<vmem_shared>>
      %dma_start3A_27 = arith.constant 0 : i32
      %dma_start3A_28 = arith.constant 0 : i32
      %dma_start3A_29 = tpu.memref_slice %arg16[%run_scoped3A_11, %dma_start3A_27, %dma_start3A_28] : memref<5x16x16xf32, #tpu.memory_space<vmem_shared>> -> memref<1x16x16xf32, #tpu.memory_space<vmem_shared>>
      %dma_start3A_30 = tpu.memref_squeeze %dma_start3A_29 : memref<1x16x16xf32, #tpu.memory_space<vmem_shared>> -> memref<16x16xf32, #tpu.memory_space<vmem_shared>>
      %dma_start3A_31 = arith.constant 0 : i32
      %dma_start3A_32 = tpu.memref_slice %dma_start3A_30[%arg1, %dma_start3A_31] : memref<16x16xf32, #tpu.memory_space<vmem_shared>> -> memref<1x16xf32, #tpu.memory_space<vmem_shared>>
      %dma_start3A_33 = tpu.memref_squeeze %dma_start3A_32 : memref<1x16xf32, #tpu.memory_space<vmem_shared>> -> memref<16xf32, #tpu.memory_space<vmem_shared>>
      tpu.enqueue_dma source(%arg13 : memref<16xf32, #tpu.memory_space<vmem>>) target(%dma_start3A_33 : memref<16xf32, #tpu.memory_space<vmem_shared>>) target_semaphore(%run_scoped3A_20 : memref<!tpu.dma_semaphore, #tpu.memory_space<semaphore_mem>>)
      %dma_wait3A = arith.constant 0 : i32
      %dma_wait3A_34 = arith.constant 0 : i32
      %dma_wait3A_35 = tpu.memref_slice %arg16[%run_scoped3A_11, %dma_wait3A, %dma_wait3A_34] : memref<5x16x16xf32, #tpu.memory_space<vmem_shared>> -> memref<1x16x16xf32, #tpu.memory_space<vmem_shared>>
      %dma_wait3A_36 = tpu.memref_squeeze %dma_wait3A_35 : memref<1x16x16xf32, #tpu.memory_space<vmem_shared>> -> memref<16x16xf32, #tpu.memory_space<vmem_shared>>
      %dma_wait3A_37 = arith.constant 0 : i32
      %dma_wait3A_38 = tpu.memref_slice %dma_wait3A_36[%arg1, %dma_wait3A_37] : memref<16x16xf32, #tpu.memory_space<vmem_shared>> -> memref<1x16xf32, #tpu.memory_space<vmem_shared>>
      %dma_wait3A_39 = tpu.memref_squeeze %dma_wait3A_38 : memref<1x16xf32, #tpu.memory_space<vmem_shared>> -> memref<16xf32, #tpu.memory_space<vmem_shared>>
      %dma_wait3A_40 = arith.constant 0 : i32
      %dma_wait3A_41 = arith.constant 0 : i32
      %dma_wait3A_42 = tpu.memref_slice %arg16[%run_scoped3A_11, %dma_wait3A_40, %dma_wait3A_41] : memref<5x16x16xf32, #tpu.memory_space<vmem_shared>> -> memref<1x16x16xf32, #tpu.memory_space<vmem_shared>>
      %dma_wait3A_43 = tpu.memref_squeeze %dma_wait3A_42 : memref<1x16x16xf32, #tpu.memory_space<vmem_shared>> -> memref<16x16xf32, #tpu.memory_space<vmem_shared>>
      %dma_wait3A_44 = arith.constant 0 : i32
      %dma_wait3A_45 = tpu.memref_slice %dma_wait3A_43[%arg1, %dma_wait3A_44] : memref<16x16xf32, #tpu.memory_space<vmem_shared>> -> memref<1x16xf32, #tpu.memory_space<vmem_shared>>
      %dma_wait3A_46 = tpu.memref_squeeze %dma_wait3A_45 : memref<1x16xf32, #tpu.memory_space<vmem_shared>> -> memref<16xf32, #tpu.memory_space<vmem_shared>>
      tpu.wait_dma2 semaphore(%run_scoped3A_20 : memref<!tpu.dma_semaphore, #tpu.memory_space<semaphore_mem>>) src(%arg13 : memref<16xf32, #tpu.memory_space<vmem>>) dst(%dma_wait3A_46 : memref<16xf32, #tpu.memory_space<vmem_shared>>)
      tpu.yield
    }) : () -> ()
    %swap3A_12 = arith.constant 0 : index
    %swap3A_13 = tpu.vector_load %arg13[%swap3A_12] {strides = array<i32>} : memref<16xf32, #tpu.memory_space<vmem>>, vector<16xf32>,
    tpu.vector_store %arg13[%swap3A_12], %scan3A_6#2 {strides = array<i32>} : memref<16xf32, #tpu.memory_space<vmem>>, vector<16xf32>,
    %run_scoped3A_14 = arith.constant 3 : i32
    "tpu.region"() ({
      %run_scoped3A_20 = tpu.sem_alloc : memref<!tpu.dma_semaphore, #tpu.memory_space<semaphore_mem>>
      %dma_start3A = arith.constant 0 : i32
      %dma_start3A_21 = arith.constant 0 : i32
      %dma_start3A_22 = tpu.memref_slice %arg16[%run_scoped3A_14, %dma_start3A, %dma_start3A_21] : memref<5x16x16xf32, #tpu.memory_space<vmem_shared>> -> memref<1x16x16xf32, #tpu.memory_space<vmem_shared>>
      %dma_start3A_23 = tpu.memref_squeeze %dma_start3A_22 : memref<1x16x16xf32, #tpu.memory_space<vmem_shared>> -> memref<16x16xf32, #tpu.memory_space<vmem_shared>>
      %dma_start3A_24 = arith.constant 0 : i32
      %dma_start3A_25 = tpu.memref_slice %dma_start3A_23[%arg1, %dma_start3A_24] : memref<16x16xf32, #tpu.memory_space<vmem_shared>> -> memref<1x16xf32, #tpu.memory_space<vmem_shared>>
      %dma_start3A_26 = tpu.memref_squeeze %dma_start3A_25 : memref<1x16xf32, #tpu.memory_space<vmem_shared>> -> memref<16xf32, #tpu.memory_space<vmem_shared>>
      %dma_start3A_27 = arith.constant 0 : i32
      %dma_start3A_28 = arith.constant 0 : i32
      %dma_start3A_29 = tpu.memref_slice %arg16[%run_scoped3A_14, %dma_start3A_27, %dma_start3A_28] : memref<5x16x16xf32, #tpu.memory_space<vmem_shared>> -> memref<1x16x16xf32, #tpu.memory_space<vmem_shared>>
      %dma_start3A_30 = tpu.memref_squeeze %dma_start3A_29 : memref<1x16x16xf32, #tpu.memory_space<vmem_shared>> -> memref<16x16xf32, #tpu.memory_space<vmem_shared>>
      %dma_start3A_31 = arith.constant 0 : i32
      %dma_start3A_32 = tpu.memref_slice %dma_start3A_30[%arg1, %dma_start3A_31] : memref<16x16xf32, #tpu.memory_space<vmem_shared>> -> memref<1x16xf32, #tpu.memory_space<vmem_shared>>
      %dma_start3A_33 = tpu.memref_squeeze %dma_start3A_32 : memref<1x16xf32, #tpu.memory_space<vmem_shared>> -> memref<16xf32, #tpu.memory_space<vmem_shared>>
      tpu.enqueue_dma source(%arg13 : memref<16xf32, #tpu.memory_space<vmem>>) target(%dma_start3A_33 : memref<16xf32, #tpu.memory_space<vmem_shared>>) target_semaphore(%run_scoped3A_20 : memref<!tpu.dma_semaphore, #tpu.memory_space<semaphore_mem>>)
      %dma_wait3A = arith.constant 0 : i32
      %dma_wait3A_34 = arith.constant 0 : i32
      %dma_wait3A_35 = tpu.memref_slice %arg16[%run_scoped3A_14, %dma_wait3A, %dma_wait3A_34] : memref<5x16x16xf32, #tpu.memory_space<vmem_shared>> -> memref<1x16x16xf32, #tpu.memory_space<vmem_shared>>
      %dma_wait3A_36 = tpu.memref_squeeze %dma_wait3A_35 : memref<1x16x16xf32, #tpu.memory_space<vmem_shared>> -> memref<16x16xf32, #tpu.memory_space<vmem_shared>>
      %dma_wait3A_37 = arith.constant 0 : i32
      %dma_wait3A_38 = tpu.memref_slice %dma_wait3A_36[%arg1, %dma_wait3A_37] : memref<16x16xf32, #tpu.memory_space<vmem_shared>> -> memref<1x16xf32, #tpu.memory_space<vmem_shared>>
      %dma_wait3A_39 = tpu.memref_squeeze %dma_wait3A_38 : memref<1x16xf32, #tpu.memory_space<vmem_shared>> -> memref<16xf32, #tpu.memory_space<vmem_shared>>
      %dma_wait3A_40 = arith.constant 0 : i32
      %dma_wait3A_41 = arith.constant 0 : i32
      %dma_wait3A_42 = tpu.memref_slice %arg16[%run_scoped3A_14, %dma_wait3A_40, %dma_wait3A_41] : memref<5x16x16xf32, #tpu.memory_space<vmem_shared>> -> memref<1x16x16xf32, #tpu.memory_space<vmem_shared>>
      %dma_wait3A_43 = tpu.memref_squeeze %dma_wait3A_42 : memref<1x16x16xf32, #tpu.memory_space<vmem_shared>> -> memref<16x16xf32, #tpu.memory_space<vmem_shared>>
      %dma_wait3A_44 = arith.constant 0 : i32
      %dma_wait3A_45 = tpu.memref_slice %dma_wait3A_43[%arg1, %dma_wait3A_44] : memref<16x16xf32, #tpu.memory_space<vmem_shared>> -> memref<1x16xf32, #tpu.memory_space<vmem_shared>>
      %dma_wait3A_46 = tpu.memref_squeeze %dma_wait3A_45 : memref<1x16xf32, #tpu.memory_space<vmem_shared>> -> memref<16xf32, #tpu.memory_space<vmem_shared>>
      tpu.wait_dma2 semaphore(%run_scoped3A_20 : memref<!tpu.dma_semaphore, #tpu.memory_space<semaphore_mem>>) src(%arg13 : memref<16xf32, #tpu.memory_space<vmem>>) dst(%dma_wait3A_46 : memref<16xf32, #tpu.memory_space<vmem_shared>>)
      tpu.yield
    }) : () -> ()
    %swap3A_15 = arith.constant 0 : index
    %swap3A_16 = tpu.vector_load %arg13[%swap3A_15] {strides = array<i32>} : memref<16xf32, #tpu.memory_space<vmem>>, vector<16xf32>,
    tpu.vector_store %arg13[%swap3A_15], %scan3A_6#3 {strides = array<i32>} : memref<16xf32, #tpu.memory_space<vmem>>, vector<16xf32>,
    %run_scoped3A_17 = arith.constant 4 : i32
    "tpu.region"() ({
      %run_scoped3A_20 = tpu.sem_alloc : memref<!tpu.dma_semaphore, #tpu.memory_space<semaphore_mem>>
      %dma_start3A = arith.constant 0 : i32
      %dma_start3A_21 = arith.constant 0 : i32
      %dma_start3A_22 = tpu.memref_slice %arg16[%run_scoped3A_17, %dma_start3A, %dma_start3A_21] : memref<5x16x16xf32, #tpu.memory_space<vmem_shared>> -> memref<1x16x16xf32, #tpu.memory_space<vmem_shared>>
      %dma_start3A_23 = tpu.memref_squeeze %dma_start3A_22 : memref<1x16x16xf32, #tpu.memory_space<vmem_shared>> -> memref<16x16xf32, #tpu.memory_space<vmem_shared>>
      %dma_start3A_24 = arith.constant 0 : i32
      %dma_start3A_25 = tpu.memref_slice %dma_start3A_23[%arg1, %dma_start3A_24] : memref<16x16xf32, #tpu.memory_space<vmem_shared>> -> memref<1x16xf32, #tpu.memory_space<vmem_shared>>
      %dma_start3A_26 = tpu.memref_squeeze %dma_start3A_25 : memref<1x16xf32, #tpu.memory_space<vmem_shared>> -> memref<16xf32, #tpu.memory_space<vmem_shared>>
      %dma_start3A_27 = arith.constant 0 : i32
      %dma_start3A_28 = arith.constant 0 : i32
      %dma_start3A_29 = tpu.memref_slice %arg16[%run_scoped3A_17, %dma_start3A_27, %dma_start3A_28] : memref<5x16x16xf32, #tpu.memory_space<vmem_shared>> -> memref<1x16x16xf32, #tpu.memory_space<vmem_shared>>
      %dma_start3A_30 = tpu.memref_squeeze %dma_start3A_29 : memref<1x16x16xf32, #tpu.memory_space<vmem_shared>> -> memref<16x16xf32, #tpu.memory_space<vmem_shared>>
      %dma_start3A_31 = arith.constant 0 : i32
      %dma_start3A_32 = tpu.memref_slice %dma_start3A_30[%arg1, %dma_start3A_31] : memref<16x16xf32, #tpu.memory_space<vmem_shared>> -> memref<1x16xf32, #tpu.memory_space<vmem_shared>>
      %dma_start3A_33 = tpu.memref_squeeze %dma_start3A_32 : memref<1x16xf32, #tpu.memory_space<vmem_shared>> -> memref<16xf32, #tpu.memory_space<vmem_shared>>
      tpu.enqueue_dma source(%arg13 : memref<16xf32, #tpu.memory_space<vmem>>) target(%dma_start3A_33 : memref<16xf32, #tpu.memory_space<vmem_shared>>) target_semaphore(%run_scoped3A_20 : memref<!tpu.dma_semaphore, #tpu.memory_space<semaphore_mem>>)
      %dma_wait3A = arith.constant 0 : i32
      %dma_wait3A_34 = arith.constant 0 : i32
      %dma_wait3A_35 = tpu.memref_slice %arg16[%run_scoped3A_17, %dma_wait3A, %dma_wait3A_34] : memref<5x16x16xf32, #tpu.memory_space<vmem_shared>> -> memref<1x16x16xf32, #tpu.memory_space<vmem_shared>>
      %dma_wait3A_36 = tpu.memref_squeeze %dma_wait3A_35 : memref<1x16x16xf32, #tpu.memory_space<vmem_shared>> -> memref<16x16xf32, #tpu.memory_space<vmem_shared>>
      %dma_wait3A_37 = arith.constant 0 : i32
      %dma_wait3A_38 = tpu.memref_slice %dma_wait3A_36[%arg1, %dma_wait3A_37] : memref<16x16xf32, #tpu.memory_space<vmem_shared>> -> memref<1x16xf32, #tpu.memory_space<vmem_shared>>
      %dma_wait3A_39 = tpu.memref_squeeze %dma_wait3A_38 : memref<1x16xf32, #tpu.memory_space<vmem_shared>> -> memref<16xf32, #tpu.memory_space<vmem_shared>>
      %dma_wait3A_40 = arith.constant 0 : i32
      %dma_wait3A_41 = arith.constant 0 : i32
      %dma_wait3A_42 = tpu.memref_slice %arg16[%run_scoped3A_17, %dma_wait3A_40, %dma_wait3A_41] : memref<5x16x16xf32, #tpu.memory_space<vmem_shared>> -> memref<1x16x16xf32, #tpu.memory_space<vmem_shared>>
      %dma_wait3A_43 = tpu.memref_squeeze %dma_wait3A_42 : memref<1x16x16xf32, #tpu.memory_space<vmem_shared>> -> memref<16x16xf32, #tpu.memory_space<vmem_shared>>
      %dma_wait3A_44 = arith.constant 0 : i32
      %dma_wait3A_45 = tpu.memref_slice %dma_wait3A_43[%arg1, %dma_wait3A_44] : memref<16x16xf32, #tpu.memory_space<vmem_shared>> -> memref<1x16xf32, #tpu.memory_space<vmem_shared>>
      %dma_wait3A_46 = tpu.memref_squeeze %dma_wait3A_45 : memref<1x16xf32, #tpu.memory_space<vmem_shared>> -> memref<16xf32, #tpu.memory_space<vmem_shared>>
      tpu.wait_dma2 semaphore(%run_scoped3A_20 : memref<!tpu.dma_semaphore, #tpu.memory_space<semaphore_mem>>) src(%arg13 : memref<16xf32, #tpu.memory_space<vmem>>) dst(%dma_wait3A_46 : memref<16xf32, #tpu.memory_space<vmem_shared>>)
      tpu.yield
    }) : () -> ()
    %barrier3A = arith.constant 0 : index
    tpu.barrier barrier_id(%barrier3A)
    %eq3A = arith.constant 0 : i32
    %eq3A_18 = arith.cmpi eq, %arg1, %eq3A : i32
    %convert_element_type3A = arith.extui %eq3A_18 : i1 to i32
    %cond3A = arith.constant 0 : i32
    %cond3A_19 = arith.cmpi ne, %convert_element_type3A, %cond3A : i32
    scf.if %cond3A_19 {
      %dma_start3A = arith.constant 1 : i32
      %dma_start3A_20 = arith.constant 0 : i32
      %dma_start3A_21 = arith.constant 0 : i32
      %dma_start3A_22 = arith.constant 0 : i32
      %dma_start3A_23 = tpu.memref_slice %arg14[%dma_start3A_20, %dma_start3A_21, %dma_start3A_22] : memref<4x16x16xf32, #tpu.memory_space<vmem>> -> memref<1x16x16xf32, #tpu.memory_space<vmem>>
      %dma_start3A_24 = tpu.memref_squeeze %dma_start3A_23 : memref<1x16x16xf32, #tpu.memory_space<vmem>> -> memref<16x16xf32, #tpu.memory_space<vmem>>
      %dma_start3A_25 = arith.constant 0 : i32
      %dma_start3A_26 = arith.constant 0 : i32
      %dma_start3A_27 = tpu.memref_slice %arg16[%dma_start3A, %dma_start3A_25, %dma_start3A_26] : memref<5x16x16xf32, #tpu.memory_space<vmem_shared>> -> memref<1x16x16xf32, #tpu.memory_space<vmem_shared>>
      %dma_start3A_28 = tpu.memref_squeeze %dma_start3A_27 : memref<1x16x16xf32, #tpu.memory_space<vmem_shared>> -> memref<16x16xf32, #tpu.memory_space<vmem_shared>>
      %dma_start3A_29 = arith.constant 0 : i32
      %dma_start3A_30 = arith.constant 0 : i32
      %dma_start3A_31 = tpu.memref_slice %arg14[%dma_start3A_20, %dma_start3A_29, %dma_start3A_30] : memref<4x16x16xf32, #tpu.memory_space<vmem>> -> memref<1x16x16xf32, #tpu.memory_space<vmem>>
      %dma_start3A_32 = tpu.memref_squeeze %dma_start3A_31 : memref<1x16x16xf32, #tpu.memory_space<vmem>> -> memref<16x16xf32, #tpu.memory_space<vmem>>
      %dma_start3A_33 = arith.constant 0 : i32
      %dma_start3A_34 = arith.constant 0 : i32
      %dma_start3A_35 = tpu.memref_slice %arg16[%dma_start3A, %dma_start3A_33, %dma_start3A_34] : memref<5x16x16xf32, #tpu.memory_space<vmem_shared>> -> memref<1x16x16xf32, #tpu.memory_space<vmem_shared>>
      %dma_start3A_36 = tpu.memref_squeeze %dma_start3A_35 : memref<1x16x16xf32, #tpu.memory_space<vmem_shared>> -> memref<16x16xf32, #tpu.memory_space<vmem_shared>>
      tpu.enqueue_dma source(%dma_start3A_36 : memref<16x16xf32, #tpu.memory_space<vmem_shared>>) target(%dma_start3A_32 : memref<16x16xf32, #tpu.memory_space<vmem>>) target_semaphore(%arg17 : memref<!tpu.dma_semaphore, #tpu.memory_space<semaphore_mem>>)
      %dma_wait3A = arith.constant 1 : i32
      %dma_wait3A_37 = arith.constant 0 : i32
      %dma_wait3A_38 = arith.constant 0 : i32
      %dma_wait3A_39 = arith.constant 0 : i32
      %dma_wait3A_40 = tpu.memref_slice %arg14[%dma_wait3A_37, %dma_wait3A_38, %dma_wait3A_39] : memref<4x16x16xf32, #tpu.memory_space<vmem>> -> memref<1x16x16xf32, #tpu.memory_space<vmem>>
      %dma_wait3A_41 = tpu.memref_squeeze %dma_wait3A_40 : memref<1x16x16xf32, #tpu.memory_space<vmem>> -> memref<16x16xf32, #tpu.memory_space<vmem>>
      %dma_wait3A_42 = arith.constant 0 : i32
      %dma_wait3A_43 = arith.constant 0 : i32
      %dma_wait3A_44 = tpu.memref_slice %arg16[%dma_wait3A, %dma_wait3A_42, %dma_wait3A_43] : memref<5x16x16xf32, #tpu.memory_space<vmem_shared>> -> memref<1x16x16xf32, #tpu.memory_space<vmem_shared>>
      %dma_wait3A_45 = tpu.memref_squeeze %dma_wait3A_44 : memref<1x16x16xf32, #tpu.memory_space<vmem_shared>> -> memref<16x16xf32, #tpu.memory_space<vmem_shared>>
      %dma_wait3A_46 = arith.constant 0 : i32
      %dma_wait3A_47 = arith.constant 0 : i32
      %dma_wait3A_48 = tpu.memref_slice %arg14[%dma_wait3A_37, %dma_wait3A_46, %dma_wait3A_47] : memref<4x16x16xf32, #tpu.memory_space<vmem>> -> memref<1x16x16xf32, #tpu.memory_space<vmem>>
      %dma_wait3A_49 = tpu.memref_squeeze %dma_wait3A_48 : memref<1x16x16xf32, #tpu.memory_space<vmem>> -> memref<16x16xf32, #tpu.memory_space<vmem>>
      %dma_wait3A_50 = arith.constant 0 : i32
      %dma_wait3A_51 = arith.constant 0 : i32
      %dma_wait3A_52 = tpu.memref_slice %arg16[%dma_wait3A, %dma_wait3A_50, %dma_wait3A_51] : memref<5x16x16xf32, #tpu.memory_space<vmem_shared>> -> memref<1x16x16xf32, #tpu.memory_space<vmem_shared>>
      %dma_wait3A_53 = tpu.memref_squeeze %dma_wait3A_52 : memref<1x16x16xf32, #tpu.memory_space<vmem_shared>> -> memref<16x16xf32, #tpu.memory_space<vmem_shared>>
      tpu.wait_dma2 semaphore(%arg17 : memref<!tpu.dma_semaphore, #tpu.memory_space<semaphore_mem>>) src(%dma_wait3A_53 : memref<16x16xf32, #tpu.memory_space<vmem_shared>>) dst(%dma_wait3A_49 : memref<16x16xf32, #tpu.memory_space<vmem>>)
      %dma_start3A_54 = arith.constant 2 : i32
      %dma_start3A_55 = arith.constant 1 : i32
      %dma_start3A_56 = arith.constant 0 : i32
      %dma_start3A_57 = arith.constant 0 : i32
      %dma_start3A_58 = tpu.memref_slice %arg14[%dma_start3A_55, %dma_start3A_56, %dma_start3A_57] : memref<4x16x16xf32, #tpu.memory_space<vmem>> -> memref<1x16x16xf32, #tpu.memory_space<vmem>>
      %dma_start3A_59 = tpu.memref_squeeze %dma_start3A_58 : memref<1x16x16xf32, #tpu.memory_space<vmem>> -> memref<16x16xf32, #tpu.memory_space<vmem>>
      %dma_start3A_60 = arith.constant 0 : i32
      %dma_start3A_61 = arith.constant 0 : i32
      %dma_start3A_62 = tpu.memref_slice %arg16[%dma_start3A_54, %dma_start3A_60, %dma_start3A_61] : memref<5x16x16xf32, #tpu.memory_space<vmem_shared>> -> memref<1x16x16xf32, #tpu.memory_space<vmem_shared>>
      %dma_start3A_63 = tpu.memref_squeeze %dma_start3A_62 : memref<1x16x16xf32, #tpu.memory_space<vmem_shared>> -> memref<16x16xf32, #tpu.memory_space<vmem_shared>>
      %dma_start3A_64 = arith.constant 0 : i32
      %dma_start3A_65 = arith.constant 0 : i32
      %dma_start3A_66 = tpu.memref_slice %arg14[%dma_start3A_55, %dma_start3A_64, %dma_start3A_65] : memref<4x16x16xf32, #tpu.memory_space<vmem>> -> memref<1x16x16xf32, #tpu.memory_space<vmem>>
      %dma_start3A_67 = tpu.memref_squeeze %dma_start3A_66 : memref<1x16x16xf32, #tpu.memory_space<vmem>> -> memref<16x16xf32, #tpu.memory_space<vmem>>
      %dma_start3A_68 = arith.constant 0 : i32
      %dma_start3A_69 = arith.constant 0 : i32
      %dma_start3A_70 = tpu.memref_slice %arg16[%dma_start3A_54, %dma_start3A_68, %dma_start3A_69] : memref<5x16x16xf32, #tpu.memory_space<vmem_shared>> -> memref<1x16x16xf32, #tpu.memory_space<vmem_shared>>
      %dma_start3A_71 = tpu.memref_squeeze %dma_start3A_70 : memref<1x16x16xf32, #tpu.memory_space<vmem_shared>> -> memref<16x16xf32, #tpu.memory_space<vmem_shared>>
      tpu.enqueue_dma source(%dma_start3A_71 : memref<16x16xf32, #tpu.memory_space<vmem_shared>>) target(%dma_start3A_67 : memref<16x16xf32, #tpu.memory_space<vmem>>) target_semaphore(%arg17 : memref<!tpu.dma_semaphore, #tpu.memory_space<semaphore_mem>>)
      %dma_wait3A_72 = arith.constant 2 : i32
      %dma_wait3A_73 = arith.constant 1 : i32
      %dma_wait3A_74 = arith.constant 0 : i32
      %dma_wait3A_75 = arith.constant 0 : i32
      %dma_wait3A_76 = tpu.memref_slice %arg14[%dma_wait3A_73, %dma_wait3A_74, %dma_wait3A_75] : memref<4x16x16xf32, #tpu.memory_space<vmem>> -> memref<1x16x16xf32, #tpu.memory_space<vmem>>
      %dma_wait3A_77 = tpu.memref_squeeze %dma_wait3A_76 : memref<1x16x16xf32, #tpu.memory_space<vmem>> -> memref<16x16xf32, #tpu.memory_space<vmem>>
      %dma_wait3A_78 = arith.constant 0 : i32
      %dma_wait3A_79 = arith.constant 0 : i32
      %dma_wait3A_80 = tpu.memref_slice %arg16[%dma_wait3A_72, %dma_wait3A_78, %dma_wait3A_79] : memref<5x16x16xf32, #tpu.memory_space<vmem_shared>> -> memref<1x16x16xf32, #tpu.memory_space<vmem_shared>>
      %dma_wait3A_81 = tpu.memref_squeeze %dma_wait3A_80 : memref<1x16x16xf32, #tpu.memory_space<vmem_shared>> -> memref<16x16xf32, #tpu.memory_space<vmem_shared>>
      %dma_wait3A_82 = arith.constant 0 : i32
      %dma_wait3A_83 = arith.constant 0 : i32
      %dma_wait3A_84 = tpu.memref_slice %arg14[%dma_wait3A_73, %dma_wait3A_82, %dma_wait3A_83] : memref<4x16x16xf32, #tpu.memory_space<vmem>> -> memref<1x16x16xf32, #tpu.memory_space<vmem>>
      %dma_wait3A_85 = tpu.memref_squeeze %dma_wait3A_84 : memref<1x16x16xf32, #tpu.memory_space<vmem>> -> memref<16x16xf32, #tpu.memory_space<vmem>>
      %dma_wait3A_86 = arith.constant 0 : i32
      %dma_wait3A_87 = arith.constant 0 : i32
      %dma_wait3A_88 = tpu.memref_slice %arg16[%dma_wait3A_72, %dma_wait3A_86, %dma_wait3A_87] : memref<5x16x16xf32, #tpu.memory_space<vmem_shared>> -> memref<1x16x16xf32, #tpu.memory_space<vmem_shared>>
      %dma_wait3A_89 = tpu.memref_squeeze %dma_wait3A_88 : memref<1x16x16xf32, #tpu.memory_space<vmem_shared>> -> memref<16x16xf32, #tpu.memory_space<vmem_shared>>
      tpu.wait_dma2 semaphore(%arg17 : memref<!tpu.dma_semaphore, #tpu.memory_space<semaphore_mem>>) src(%dma_wait3A_89 : memref<16x16xf32, #tpu.memory_space<vmem_shared>>) dst(%dma_wait3A_85 : memref<16x16xf32, #tpu.memory_space<vmem>>)
      %dma_start3A_90 = arith.constant 3 : i32
      %dma_start3A_91 = arith.constant 2 : i32
      %dma_start3A_92 = arith.constant 0 : i32
      %dma_start3A_93 = arith.constant 0 : i32
      %dma_start3A_94 = tpu.memref_slice %arg14[%dma_start3A_91, %dma_start3A_92, %dma_start3A_93] : memref<4x16x16xf32, #tpu.memory_space<vmem>> -> memref<1x16x16xf32, #tpu.memory_space<vmem>>
      %dma_start3A_95 = tpu.memref_squeeze %dma_start3A_94 : memref<1x16x16xf32, #tpu.memory_space<vmem>> -> memref<16x16xf32, #tpu.memory_space<vmem>>
      %dma_start3A_96 = arith.constant 0 : i32
      %dma_start3A_97 = arith.constant 0 : i32
      %dma_start3A_98 = tpu.memref_slice %arg16[%dma_start3A_90, %dma_start3A_96, %dma_start3A_97] : memref<5x16x16xf32, #tpu.memory_space<vmem_shared>> -> memref<1x16x16xf32, #tpu.memory_space<vmem_shared>>
      %dma_start3A_99 = tpu.memref_squeeze %dma_start3A_98 : memref<1x16x16xf32, #tpu.memory_space<vmem_shared>> -> memref<16x16xf32, #tpu.memory_space<vmem_shared>>
      %dma_start3A_100 = arith.constant 0 : i32
      %dma_start3A_101 = arith.constant 0 : i32
      %dma_start3A_102 = tpu.memref_slice %arg14[%dma_start3A_91, %dma_start3A_100, %dma_start3A_101] : memref<4x16x16xf32, #tpu.memory_space<vmem>> -> memref<1x16x16xf32, #tpu.memory_space<vmem>>
      %dma_start3A_103 = tpu.memref_squeeze %dma_start3A_102 : memref<1x16x16xf32, #tpu.memory_space<vmem>> -> memref<16x16xf32, #tpu.memory_space<vmem>>
      %dma_start3A_104 = arith.constant 0 : i32
      %dma_start3A_105 = arith.constant 0 : i32
      %dma_start3A_106 = tpu.memref_slice %arg16[%dma_start3A_90, %dma_start3A_104, %dma_start3A_105] : memref<5x16x16xf32, #tpu.memory_space<vmem_shared>> -> memref<1x16x16xf32, #tpu.memory_space<vmem_shared>>
      %dma_start3A_107 = tpu.memref_squeeze %dma_start3A_106 : memref<1x16x16xf32, #tpu.memory_space<vmem_shared>> -> memref<16x16xf32, #tpu.memory_space<vmem_shared>>
      tpu.enqueue_dma source(%dma_start3A_107 : memref<16x16xf32, #tpu.memory_space<vmem_shared>>) target(%dma_start3A_103 : memref<16x16xf32, #tpu.memory_space<vmem>>) target_semaphore(%arg17 : memref<!tpu.dma_semaphore, #tpu.memory_space<semaphore_mem>>)
      %dma_wait3A_108 = arith.constant 3 : i32
      %dma_wait3A_109 = arith.constant 2 : i32
      %dma_wait3A_110 = arith.constant 0 : i32
      %dma_wait3A_111 = arith.constant 0 : i32
      %dma_wait3A_112 = tpu.memref_slice %arg14[%dma_wait3A_109, %dma_wait3A_110, %dma_wait3A_111] : memref<4x16x16xf32, #tpu.memory_space<vmem>> -> memref<1x16x16xf32, #tpu.memory_space<vmem>>
      %dma_wait3A_113 = tpu.memref_squeeze %dma_wait3A_112 : memref<1x16x16xf32, #tpu.memory_space<vmem>> -> memref<16x16xf32, #tpu.memory_space<vmem>>
      %dma_wait3A_114 = arith.constant 0 : i32
      %dma_wait3A_115 = arith.constant 0 : i32
      %dma_wait3A_116 = tpu.memref_slice %arg16[%dma_wait3A_108, %dma_wait3A_114, %dma_wait3A_115] : memref<5x16x16xf32, #tpu.memory_space<vmem_shared>> -> memref<1x16x16xf32, #tpu.memory_space<vmem_shared>>
      %dma_wait3A_117 = tpu.memref_squeeze %dma_wait3A_116 : memref<1x16x16xf32, #tpu.memory_space<vmem_shared>> -> memref<16x16xf32, #tpu.memory_space<vmem_shared>>
      %dma_wait3A_118 = arith.constant 0 : i32
      %dma_wait3A_119 = arith.constant 0 : i32
      %dma_wait3A_120 = tpu.memref_slice %arg14[%dma_wait3A_109, %dma_wait3A_118, %dma_wait3A_119] : memref<4x16x16xf32, #tpu.memory_space<vmem>> -> memref<1x16x16xf32, #tpu.memory_space<vmem>>
      %dma_wait3A_121 = tpu.memref_squeeze %dma_wait3A_120 : memref<1x16x16xf32, #tpu.memory_space<vmem>> -> memref<16x16xf32, #tpu.memory_space<vmem>>
      %dma_wait3A_122 = arith.constant 0 : i32
      %dma_wait3A_123 = arith.constant 0 : i32
      %dma_wait3A_124 = tpu.memref_slice %arg16[%dma_wait3A_108, %dma_wait3A_122, %dma_wait3A_123] : memref<5x16x16xf32, #tpu.memory_space<vmem_shared>> -> memref<1x16x16xf32, #tpu.memory_space<vmem_shared>>
      %dma_wait3A_125 = tpu.memref_squeeze %dma_wait3A_124 : memref<1x16x16xf32, #tpu.memory_space<vmem_shared>> -> memref<16x16xf32, #tpu.memory_space<vmem_shared>>
      tpu.wait_dma2 semaphore(%arg17 : memref<!tpu.dma_semaphore, #tpu.memory_space<semaphore_mem>>) src(%dma_wait3A_125 : memref<16x16xf32, #tpu.memory_space<vmem_shared>>) dst(%dma_wait3A_121 : memref<16x16xf32, #tpu.memory_space<vmem>>)
      %dma_start3A_126 = arith.constant 4 : i32
      %dma_start3A_127 = arith.constant 3 : i32
      %dma_start3A_128 = arith.constant 0 : i32
      %dma_start3A_129 = arith.constant 0 : i32
      %dma_start3A_130 = tpu.memref_slice %arg14[%dma_start3A_127, %dma_start3A_128, %dma_start3A_129] : memref<4x16x16xf32, #tpu.memory_space<vmem>> -> memref<1x16x16xf32, #tpu.memory_space<vmem>>
      %dma_start3A_131 = tpu.memref_squeeze %dma_start3A_130 : memref<1x16x16xf32, #tpu.memory_space<vmem>> -> memref<16x16xf32, #tpu.memory_space<vmem>>
      %dma_start3A_132 = arith.constant 0 : i32
      %dma_start3A_133 = arith.constant 0 : i32
      %dma_start3A_134 = tpu.memref_slice %arg16[%dma_start3A_126, %dma_start3A_132, %dma_start3A_133] : memref<5x16x16xf32, #tpu.memory_space<vmem_shared>> -> memref<1x16x16xf32, #tpu.memory_space<vmem_shared>>
      %dma_start3A_135 = tpu.memref_squeeze %dma_start3A_134 : memref<1x16x16xf32, #tpu.memory_space<vmem_shared>> -> memref<16x16xf32, #tpu.memory_space<vmem_shared>>
      %dma_start3A_136 = arith.constant 0 : i32
      %dma_start3A_137 = arith.constant 0 : i32
      %dma_start3A_138 = tpu.memref_slice %arg14[%dma_start3A_127, %dma_start3A_136, %dma_start3A_137] : memref<4x16x16xf32, #tpu.memory_space<vmem>> -> memref<1x16x16xf32, #tpu.memory_space<vmem>>
      %dma_start3A_139 = tpu.memref_squeeze %dma_start3A_138 : memref<1x16x16xf32, #tpu.memory_space<vmem>> -> memref<16x16xf32, #tpu.memory_space<vmem>>
      %dma_start3A_140 = arith.constant 0 : i32
      %dma_start3A_141 = arith.constant 0 : i32
      %dma_start3A_142 = tpu.memref_slice %arg16[%dma_start3A_126, %dma_start3A_140, %dma_start3A_141] : memref<5x16x16xf32, #tpu.memory_space<vmem_shared>> -> memref<1x16x16xf32, #tpu.memory_space<vmem_shared>>
      %dma_start3A_143 = tpu.memref_squeeze %dma_start3A_142 : memref<1x16x16xf32, #tpu.memory_space<vmem_shared>> -> memref<16x16xf32, #tpu.memory_space<vmem_shared>>
      tpu.enqueue_dma source(%dma_start3A_143 : memref<16x16xf32, #tpu.memory_space<vmem_shared>>) target(%dma_start3A_139 : memref<16x16xf32, #tpu.memory_space<vmem>>) target_semaphore(%arg17 : memref<!tpu.dma_semaphore, #tpu.memory_space<semaphore_mem>>)
      %dma_wait3A_144 = arith.constant 4 : i32
      %dma_wait3A_145 = arith.constant 3 : i32
      %dma_wait3A_146 = arith.constant 0 : i32
      %dma_wait3A_147 = arith.constant 0 : i32
      %dma_wait3A_148 = tpu.memref_slice %arg14[%dma_wait3A_145, %dma_wait3A_146, %dma_wait3A_147] : memref<4x16x16xf32, #tpu.memory_space<vmem>> -> memref<1x16x16xf32, #tpu.memory_space<vmem>>
      %dma_wait3A_149 = tpu.memref_squeeze %dma_wait3A_148 : memref<1x16x16xf32, #tpu.memory_space<vmem>> -> memref<16x16xf32, #tpu.memory_space<vmem>>
      %dma_wait3A_150 = arith.constant 0 : i32
      %dma_wait3A_151 = arith.constant 0 : i32
      %dma_wait3A_152 = tpu.memref_slice %arg16[%dma_wait3A_144, %dma_wait3A_150, %dma_wait3A_151] : memref<5x16x16xf32, #tpu.memory_space<vmem_shared>> -> memref<1x16x16xf32, #tpu.memory_space<vmem_shared>>
      %dma_wait3A_153 = tpu.memref_squeeze %dma_wait3A_152 : memref<1x16x16xf32, #tpu.memory_space<vmem_shared>> -> memref<16x16xf32, #tpu.memory_space<vmem_shared>>
      %dma_wait3A_154 = arith.constant 0 : i32
      %dma_wait3A_155 = arith.constant 0 : i32
      %dma_wait3A_156 = tpu.memref_slice %arg14[%dma_wait3A_145, %dma_wait3A_154, %dma_wait3A_155] : memref<4x16x16xf32, #tpu.memory_space<vmem>> -> memref<1x16x16xf32, #tpu.memory_space<vmem>>
      %dma_wait3A_157 = tpu.memref_squeeze %dma_wait3A_156 : memref<1x16x16xf32, #tpu.memory_space<vmem>> -> memref<16x16xf32, #tpu.memory_space<vmem>>
      %dma_wait3A_158 = arith.constant 0 : i32
      %dma_wait3A_159 = arith.constant 0 : i32
      %dma_wait3A_160 = tpu.memref_slice %arg16[%dma_wait3A_144, %dma_wait3A_158, %dma_wait3A_159] : memref<5x16x16xf32, #tpu.memory_space<vmem_shared>> -> memref<1x16x16xf32, #tpu.memory_space<vmem_shared>>
      %dma_wait3A_161 = tpu.memref_squeeze %dma_wait3A_160 : memref<1x16x16xf32, #tpu.memory_space<vmem_shared>> -> memref<16x16xf32, #tpu.memory_space<vmem_shared>>
      tpu.wait_dma2 semaphore(%arg17 : memref<!tpu.dma_semaphore, #tpu.memory_space<semaphore_mem>>) src(%dma_wait3A_161 : memref<16x16xf32, #tpu.memory_space<vmem_shared>>) dst(%dma_wait3A_157 : memref<16x16xf32, #tpu.memory_space<vmem>>)
      %scan3A_162 = arith.constant 0 : i32
      %scan3A_163 = arith.constant 16 : i32
      %scan3A_164 = arith.addi %scan3A_162, %scan3A_163 : i32
      %scan3A_165 = arith.constant 1 : i32
      %scan3A_166 = scf.for %scan3A_221 = %scan3A_162 to %scan3A_164 step %scan3A_165 iter_args(%scan3A_222 = %broadcast_in_dim3A_0) -> (vector<16xf32>)  : i32 {
        %get3A = arith.constant 0 : i32
        %get3A_223 = arith.index_cast %get3A : i32 to index
        %get3A_224 = arith.index_cast %scan3A_221 : i32 to index
        %get3A_225 = arith.constant 0 : index
        %get3A_226 = tpu.vector_load %arg14[%get3A_223, %get3A_224, %get3A_225] {strides = array<i32>} : memref<4x16x16xf32, #tpu.memory_space<vmem>>, vector<16xf32>,
        %add3A_227 = arith.addf %scan3A_222, %get3A_226 : vector<16xf32>
        scf.yield %add3A_227 : vector<16xf32>
      }
      %scan3A_167 = arith.constant 16 : i32
      %scan3A_168 = arith.constant 0 : i32
      %scan3A_169 = arith.constant 16 : i32
      %scan3A_170 = arith.addi %scan3A_168, %scan3A_169 : i32
      %scan3A_171 = arith.constant 1 : i32
      %scan3A_172 = scf.for %scan3A_221 = %scan3A_168 to %scan3A_170 step %scan3A_171 iter_args(%scan3A_222 = %broadcast_in_dim3A_0) -> (vector<16xf32>)  : i32 {
        %get3A = arith.constant 1 : i32
        %get3A_223 = arith.index_cast %get3A : i32 to index
        %get3A_224 = arith.index_cast %scan3A_221 : i32 to index
        %get3A_225 = arith.constant 0 : index
        %get3A_226 = tpu.vector_load %arg14[%get3A_223, %get3A_224, %get3A_225] {strides = array<i32>} : memref<4x16x16xf32, #tpu.memory_space<vmem>>, vector<16xf32>,
        %add3A_227 = arith.addf %scan3A_222, %get3A_226 : vector<16xf32>
        scf.yield %add3A_227 : vector<16xf32>
      }
      %scan3A_173 = arith.constant 16 : i32
      %scan3A_174 = arith.constant 0 : i32
      %scan3A_175 = arith.constant 16 : i32
      %scan3A_176 = arith.addi %scan3A_174, %scan3A_175 : i32
      %scan3A_177 = arith.constant 1 : i32
      %scan3A_178 = scf.for %scan3A_221 = %scan3A_174 to %scan3A_176 step %scan3A_177 iter_args(%scan3A_222 = %broadcast_in_dim3A_0) -> (vector<16xf32>)  : i32 {
        %get3A = arith.constant 2 : i32
        %get3A_223 = arith.index_cast %get3A : i32 to index
        %get3A_224 = arith.index_cast %scan3A_221 : i32 to index
        %get3A_225 = arith.constant 0 : index
        %get3A_226 = tpu.vector_load %arg14[%get3A_223, %get3A_224, %get3A_225] {strides = array<i32>} : memref<4x16x16xf32, #tpu.memory_space<vmem>>, vector<16xf32>,
        %add3A_227 = arith.addf %scan3A_222, %get3A_226 : vector<16xf32>
        scf.yield %add3A_227 : vector<16xf32>
      }
      %scan3A_179 = arith.constant 16 : i32
      %scan3A_180 = arith.constant 0 : i32
      %scan3A_181 = arith.constant 16 : i32
      %scan3A_182 = arith.addi %scan3A_180, %scan3A_181 : i32
      %scan3A_183 = arith.constant 1 : i32
      %scan3A_184 = scf.for %scan3A_221 = %scan3A_180 to %scan3A_182 step %scan3A_183 iter_args(%scan3A_222 = %broadcast_in_dim3A_0) -> (vector<16xf32>)  : i32 {
        %get3A = arith.constant 3 : i32
        %get3A_223 = arith.index_cast %get3A : i32 to index
        %get3A_224 = arith.index_cast %scan3A_221 : i32 to index
        %get3A_225 = arith.constant 0 : index
        %get3A_226 = tpu.vector_load %arg14[%get3A_223, %get3A_224, %get3A_225] {strides = array<i32>} : memref<4x16x16xf32, #tpu.memory_space<vmem>>, vector<16xf32>,
        %add3A_227 = arith.addf %scan3A_222, %get3A_226 : vector<16xf32>
        scf.yield %add3A_227 : vector<16xf32>
      }
      %scan3A_185 = arith.constant 16 : i32
      %eq3A_186 = arith.constant 0 : i32
      %eq3A_187 = vector.broadcast %eq3A_186 : i32 to vector<16xi32>
      %eq3A_188 = arith.cmpi eq, %iota3A, %eq3A_187 : vector<16xi32>
      %reduce_sum3A = arith.constant true
      %reduce_sum3A_189 = vector.broadcast %reduce_sum3A : i1 to vector<16xi1>
      %reduce_sum3A_190 = tpu.scan <sum>, %scan3A_172 masked %reduce_sum3A_189 : vector<16xf32>, vector<16xi1> -> vector<16xf32>
      %reduce_sum3A_191 = vector.extract %reduce_sum3A_190[15] : f32 from vector<16xf32>
      %eq3A_192 = arith.constant 1 : i32
      %eq3A_193 = vector.broadcast %eq3A_192 : i32 to vector<16xi32>
      %eq3A_194 = arith.cmpi eq, %iota3A, %eq3A_193 : vector<16xi32>
      %reduce_sum3A_195 = arith.constant true
      %reduce_sum3A_196 = vector.broadcast %reduce_sum3A_195 : i1 to vector<16xi1>
      %reduce_sum3A_197 = tpu.scan <sum>, %scan3A_184 masked %reduce_sum3A_196 : vector<16xf32>, vector<16xi1> -> vector<16xf32>
      %reduce_sum3A_198 = vector.extract %reduce_sum3A_197[15] : f32 from vector<16xf32>
      %eq3A_199 = arith.constant 2 : i32
      %eq3A_200 = vector.broadcast %eq3A_199 : i32 to vector<16xi32>
      %eq3A_201 = arith.cmpi eq, %iota3A, %eq3A_200 : vector<16xi32>
      %reduce_sum3A_202 = arith.constant true
      %reduce_sum3A_203 = vector.broadcast %reduce_sum3A_202 : i1 to vector<16xi1>
      %reduce_sum3A_204 = tpu.scan <sum>, %scan3A_178 masked %reduce_sum3A_203 : vector<16xf32>, vector<16xi1> -> vector<16xf32>
      %reduce_sum3A_205 = vector.extract %reduce_sum3A_204[15] : f32 from vector<16xf32>
      %jit3A = arith.constant 0.000000e+00 : f32
      %broadcast_in_dim3A_206 = vector.broadcast %reduce_sum3A_205 : f32 to vector<16xf32>
      %broadcast_in_dim3A_207 = vector.broadcast %jit3A : f32 to vector<16xf32>
      %select_n3A = arith.select %eq3A_201, %broadcast_in_dim3A_206, %broadcast_in_dim3A_207 : vector<16xi1>, vector<16xf32>
      %broadcast_in_dim3A_208 = vector.broadcast %reduce_sum3A_198 : f32 to vector<16xf32>
      %select_n3A_209 = arith.select %eq3A_194, %broadcast_in_dim3A_208, %select_n3A : vector<16xi1>, vector<16xf32>
      %broadcast_in_dim3A_210 = vector.broadcast %reduce_sum3A_191 : f32 to vector<16xf32>
      %select_n3A_211 = arith.select %eq3A_188, %broadcast_in_dim3A_210, %select_n3A_209 : vector<16xi1>, vector<16xf32>
      %reduce_sum3A_212 = arith.constant true
      %reduce_sum3A_213 = vector.broadcast %reduce_sum3A_212 : i1 to vector<16xi1>
      %reduce_sum3A_214 = tpu.scan <sum>, %scan3A_166 masked %reduce_sum3A_213 : vector<16xf32>, vector<16xi1> -> vector<16xf32>
      %reduce_sum3A_215 = vector.extract %reduce_sum3A_214[15] : f32 from vector<16xf32>
      %add3A = vector.broadcast %reduce_sum3A_215 : f32 to vector<16xf32>
      %add3A_216 = arith.addf %broadcast_in_dim3A_0, %add3A : vector<16xf32>
      %max3A = arith.constant 1.000000e+00 : f32
      %max3A_217 = vector.broadcast %max3A : f32 to vector<16xf32>
      %max3A_218 = arith.maximumf %add3A_216, %max3A_217 : vector<16xf32>
      %div3A = arith.divf %select_n3A_211, %max3A_218 : vector<16xf32>
      %swap3A_219 = arith.constant 0 : index
      %swap3A_220 = tpu.vector_load %arg15[%swap3A_219] {strides = array<i32>} : memref<16xf32, #tpu.memory_space<vmem>>, vector<16xf32>,
      tpu.vector_store %arg15[%swap3A_219], %div3A {strides = array<i32>} : memref<16xf32, #tpu.memory_space<vmem>>, vector<16xf32>,
      "tpu.region"() ({
        %run_scoped3A_221 = tpu.sem_alloc : memref<!tpu.dma_semaphore, #tpu.memory_space<semaphore_mem>>
        tpu.enqueue_dma source(%arg15 : memref<16xf32, #tpu.memory_space<vmem>>) target(%arg7 : memref<16xf32, #tpu.memory_space<hbm>>) target_semaphore(%run_scoped3A_221 : memref<!tpu.dma_semaphore, #tpu.memory_space<semaphore_mem>>)
        tpu.wait_dma2 semaphore(%run_scoped3A_221 : memref<!tpu.dma_semaphore, #tpu.memory_space<semaphore_mem>>) src(%arg15 : memref<16xf32, #tpu.memory_space<vmem>>) dst(%arg7 : memref<16xf32, #tpu.memory_space<hbm>>)
        tpu.yield
      }) : () -> ()
    } else {
    }
    return
  }
}

</mosaic_0001>

<sc_bundles>
// kernel: kernel.3.cloned.1.call-start
scs
__scs_entry_jumppad:
0x0: {  	(pc) =	sbr.rel $0x88, $3  }
0x1: {  	(tag) =	ssettag $0x0;
	lr =	simm.s32 $0x1  }
0x2: {  	[smem:$0x3F9C] =	sst lr;
	_ =	strace $0xD0000000  }
0x3: {  	_ = 	snop  }
0x4: {  	_ = 	snop  }
0x5: {  	_ = 	snop  }
0x6: {  	_ = 	snop  }
0x7: {  	_ = 	snop  }
__scs_overlays_trampoline_lowered:
0x8: {  	[smem:$0x3FAB] =	sst s0  }
0x9: {  	[smem:$0x3FAC] =	sst s1  }
0xa: {  	[smem:$0x3FAD] =	sst s2  }
0xb: {  	[smem:$0x3FAE] =	sst s3  }
0xc: {  	[smem:$0x3FAF] =	sst s4  }
0xd: {  	[smem:$0x3FB0] =	sst s5  }
0xe: {  	[smem:$0x3FB1] =	sst s6  }
0xf: {  	[smem:$0x3FB2] =	sst s7  }
0x10: {  	[smem:$0x3FB3] =	sst s8  }
0x11: {  	[smem:$0x3FB4] =	sst s9;
	s0 =	simm.s32 @!p0 $0x0  }
0x12: {  	s1 =	sld [smem:$0x3F9A];
	s0 =	simm.s32 @p0 $0x1  }
0x13: {  	[smem:$0x3FB5] =	sst s0;
	s0 =	simm.s32 @!p1 $0x0  }
0x14: {  	s2 =	sld [smem:$0x3F99];
	s0 =	simm.s32 @p1 $0x1  }
0x15: {  	[smem:$0x3FB6] =	sst s0;
	s0 =	simm.s32 @!p2 $0x0  }
0x16: {  	s3 =	sld [smem:$0x3FDB];
	s0 =	simm.s32 @p2 $0x1  }
0x17: {  	s4 =	simm.s32 $0x1BF5;
	[smem:$0x3FB8] =	sst s0  }
0x18: {  	s0 =	sld [smem:$0x3F9B];
	_ =	swait.ge [sflag:s4], $0x0  }
0x19: {  	s7 =	sld [smem:$0x3F9C]  }
0x1a: {  	s8 =	sadd.s32 $0xFFFFE003, lr  }
0x1b: {  	s9 =	sadd.s32 $0xFFFFFEF7, lr;
	s5 =	simm.s32 $0xFFFFFFFF;
	p2 =	slt.u32 s8, $0xFFFFF086  }
0x1c: {  	p1 =	slt.u32 s9, $0xF7A;
	s5 =	simm.s32 @!p2 $0x0  }
0x1d: {  	s5 =	simm.s32 @p1 $0x1;
	p0 =	seq.s32 s7, s2  }
0x1e: {  	s7 =	smul.u32 @!p0 $0xF7A, s2;
	p2 =	seq.s32 @!p0 s5, $0x0  }
0x1f: {  	s9 =	smul.u32 $0xF7A, s1;
	s8 =	simm.s32 @!p0 $0x1BF5;
	p2 =	por !p2, p0  }
0x20: {  	[sflag:s8] =	ssyncset.s32 @!p0 $0xFFFFF086;
	s6 =	sadd.s32 @!p0 s3, s7;
	s7 =	simm.s32 @!p0 $0x108  }
0x21: {  	s3 =	sadd.s32 s3, s9;
	s6 =	sadd.s32 @!p0 $0x88, s6;
	s7 =	simm.s32 @p2 $0x1082  }
0x22: {  	[simem:s7], [sflag:s8] =	dma.local @!p0 [hbm:s6], $0xF7A  }
0x23: {  	s9 =	sor.u32 $0xD0000000, s2;
	s6 =	simm.s32 $0x108;
	_ =	swait.ge @!p0 [sflag:s8], $0x0  }
0x24: {  	s3 =	sadd.s32 $0x88, s3;
	s6 =	simm.s32 @!p1 $0x1082;
	[sflag:s4] =	ssyncset.s32 $0xFFFFF086  }
0x25: {  	[simem:s6], [sflag:s4] =	dma.local [hbm:s3], $0xF7A  }
0x26: {  	[smem:$0x3F9C] =	sst s1;
	(tag) =	ssettag s2;
	_ =	strace s9  }
0x27: {  	s1 =	sld [smem:$0x3FAC]  }
0x28: {  	s2 =	sld [smem:$0x3FAD]  }
0x29: {  	s4 =	sld [smem:$0x3FAF]  }
0x2a: {  	p0 =	seq.s32 s5, $0x0;
	s5 =	sld [smem:$0x3FB0]  }
0x2b: {  	s6 =	sld [smem:$0x3FB1]  }
0x2c: {  	s7 =	sld [smem:$0x3FB2]  }
0x2d: {  	s3 =	simm.s32 $0x108;
	s8 =	sld [smem:$0x3FB3]  }
0x2e: {  	s3 =	simm.s32 @!p0 $0x1082;
	s9 =	sld [smem:$0x3FB4]  }
0x2f: {  	lr =	sadd.s32 s0, s3;
	s0 =	sld [smem:$0x3FAB]  }
0x30: {  	s3 =	sld [smem:$0x3FAE]  }
0x31: {  	[smem:$0x3FB7] =	sst s10  }
0x32: {  	s10 =	sld [smem:$0x3FB5];
	_ =	sdelay $0x3  }
0x33: {  	p0 =	seq.s32 s10, $0x1;
	s10 =	sld [smem:$0x3FB7];
	_ =	sdelay $0x3  }
0x34: {  	[smem:$0x3FB7] =	sst s10  }
0x35: {  	s10 =	sld [smem:$0x3FB6];
	_ =	sdelay $0x3  }
0x36: {  	p1 =	seq.s32 s10, $0x1;
	s10 =	sld [smem:$0x3FB7];
	_ =	sdelay $0x3  }
0x37: {  	[smem:$0x3FB7] =	sst s10  }
0x38: {  	s10 =	sld [smem:$0x3FB8]  }
0x39: {  	_ = 	snop;
	(pc) =	sbr.ind lr, $3  }
0x3a: {  	_ = 	snop  }
0x3b: {  	_ = 	snop  }
0x3c: {  	p2 =	seq.s32 s10, $0x1;
	s10 =	sld [smem:$0x3FB7]  }
0x3d: {  	_ =	shalt  }
0x3e: {  	_ =	shalt  }
0x3f: {  	_ =	shalt  }
0x40: {  	_ =	shalt  }
0x41: {  	_ =	shalt  }
0x42: {  	_ =	shalt  }
0x43: {  	_ =	shalt  }
0x44: {  	_ =	shalt  }
0x45: {  	_ =	shalt  }
0x46: {  	_ =	shalt  }
0x47: {  	_ =	shalt  }
0x48: {  	_ =	shalt  }
0x49: {  	_ =	shalt  }
0x4a: {  	_ =	shalt  }
0x4b: {  	_ =	shalt  }
0x4c: {  	_ =	shalt  }
0x4d: {  	_ =	shalt  }
0x4e: {  	_ =	shalt  }
0x4f: {  	_ =	shalt  }
0x50: {  	_ =	shalt  }
0x51: {  	_ =	shalt  }
0x52: {  	_ =	shalt  }
0x53: {  	_ =	shalt  }
0x54: {  	_ =	shalt  }
0x55: {  	_ =	shalt  }
0x56: {  	_ =	shalt  }
0x57: {  	_ =	shalt  }
0x58: {  	_ =	shalt  }
0x59: {  	_ =	shalt  }
0x5a: {  	_ =	shalt  }
0x5b: {  	_ =	shalt  }
0x5c: {  	_ =	shalt  }
0x5d: {  	_ =	shalt  }
0x5e: {  	_ =	shalt  }
0x5f: {  	_ =	shalt  }
0x60: {  	_ =	shalt  }
0x61: {  	_ =	shalt  }
0x62: {  	_ =	shalt  }
0x63: {  	_ =	shalt  }
0x64: {  	_ =	shalt  }
0x65: {  	_ =	shalt  }
0x66: {  	_ =	shalt  }
0x67: {  	_ =	shalt  }
0x68: {  	_ =	shalt  }
0x69: {  	_ =	shalt  }
0x6a: {  	_ =	shalt  }
0x6b: {  	_ =	shalt  }
0x6c: {  	_ =	shalt  }
0x6d: {  	_ =	shalt  }
0x6e: {  	_ =	shalt  }
0x6f: {  	_ =	shalt  }
0x70: {  	_ =	shalt  }
0x71: {  	_ =	shalt  }
0x72: {  	_ =	shalt  }
0x73: {  	_ =	shalt  }
0x74: {  	_ =	shalt  }
0x75: {  	_ =	shalt  }
0x76: {  	_ =	shalt  }
0x77: {  	_ =	shalt  }
0x78: {  	_ =	shalt  }
0x79: {  	_ =	shalt  }
0x7a: {  	_ =	shalt  }
0x7b: {  	_ =	shalt  }
0x7c: {  	_ =	shalt  }
0x7d: {  	_ =	shalt  }
0x7e: {  	_ =	shalt  }
0x7f: {  	_ =	shalt  }
0x80: {  	_ =	shalt  }
0x81: {  	_ =	shalt  }
0x82: {  	_ =	shalt  }
0x83: {  	_ =	shalt  }
0x84: {  	_ =	shalt  }
0x85: {  	_ =	shalt  }
0x86: {  	_ =	shalt  }
0x87: {  	_ =	shalt  }
.Lfunc_end0:
.L_simem_size_0:
called_computation_lowered:
.L_overlay_start_0:
0x88: {  	s0 =	sld [smem:$0x3FD9]  }
0x89: {  	s1 =	sld [smem:$0x3FFE];
	_ =	sdelay $0x3  }
0x8a: {  	s0 =	sadd.s32 s1, s0  }
0x8b: {  	[smem:$0x3FC3] =	sst s0  }
0x8c: {  	_ = 	snop  }
0x8d: {  	s0 =	sld [smem:$0x3FC5];
	(tm) =	ssettm $0x1  }
0x8e: {  	s16 =	sld [smem:$0x3FFB];
	_ =	sdelay $0x3  }
0x8f: {  	_ =	strace s16  }
0x90: {  	s1 =	sld [smem:$0x3FFC];
	_ =	sdelay $0x3  }
0x91: {  	_ =	strace s1  }
0x92: {  	s1 =	sld [smem:$0x3FFD];
	_ =	sdelay $0x3  }
0x93: {  	_ =	strace s1  }
0x94: {  	_ =	strace $0x8FFFFFFF  }
0x95: {  	s17 =	sld [smem:$0x3FDB];
	_ =	sdelay $0x1  }
0x96: {  	s2 =	simm.s32 $_scs_section_size  }
0x97: {  	s3 =	simm.s32 $_size__tile_overlayer_lowered;
	s4 =	simm.s32 $_tile_overlayer_lowered  }
0x98: {  	s20 =	simm.s32 $0x1BFF;
	s19 =	sshll.u32 s4, $0x1;
	s1 =	sadd.s32 s2, s17  }
0x99: {  	s5 =	simm.s32 $0x0;
	s18 =	sshll.u32 s3, $0x1;
	s3 =	sadd.s32 s19, s1  }
0x9a: {  	[timem:s5], [sflag:s20] =	dma.local [hbm:s3], s18  }
0x9b: {  	_ =	swait.ge [sflag:s20], s18  }
0x9c: {  	s2 =	ssub.s32 $0x0, s18;
	[sflag:s20] =	ssyncset.done $0x0  }
0x9d: {  	[sflag:s20] =	ssyncadd.s32 s2;
	_ =	sdelay $0x1  }
0x9e: {  	s21 =	simm.s32 $0x1B8B  }
0x9f: {  	_ =	swait.ge [sflag:s21], $0x1  }
0xa0: {  	[sflag:s21] =	ssyncset.done $0x0  }
0xa1: {  	s23 =	simm.s32 $0x1B8E;
	s22 =	sld [smem:$0x3FFE];
	[sflag:s21] =	ssyncadd.s32 $0xFFFFFFFF  }
0xa2: {  	s24 =	simm.s32 $execute0_lowered;
	[smem:$0x3FD2] =	sst s23  }
0xa3: {  	s3 =	sshll.u32 s24, $0x1;
	_ =	strace $0x80000046;
	[dreg:$0x1] =	wrdreg $0xFFFFFFFF  }
0xa4: {  	s25 =	simm.s32 $_size_execute0_lowered;
	s1 =	sadd.s32 s1, s3;
	[dreg:$0x0] =	wrdreg $0x0  }
0xa5: {  	s3 =	sshll.u32 s25, $0x1;
	[dreg:$0x2] =	wrdreg s1  }
0xa6: {  	[dreg:$0x3] =	wrdreg s3  }
0xa7: {  	[dreg:$0x4] =	wrdreg $0xC0  }
0xa8: {  	_ =	task [dreg:s5], $0x5FFFF  }
0xa9: {  	[dreg:$0x1] =	wrdreg $0xFFFFFFFF  }
0xaa: {  	[dreg:$0x0] =	wrdreg $0x60  }
0xab: {  	[dreg:$0x2] =	wrdreg s22  }
0xac: {  	[dreg:$0x3] =	wrdreg s0  }
0xad: {  	[dreg:$0x4] =	wrdreg $0x4F000  }
0xae: {  	[dreg:$0x5] =	wrdreg $0x9  }
0xaf: {  	_ =	task.clear_ibuf [dreg:s5], $0x6FFFF;
	_ =	strace $0x90000046  }
0xb0: {  	s26 =	simm.s32 $0x9;
	_ =	strace $0x80000048  }
0xb1: {  	_ =	swait.ge [sflag:s26], $0x1  }
0xb2: {  	[sflag:s26] =	ssyncadd.s32 $0xFFFFFFFF  }
0xb3: {  	_ =	strace $0x90000048  }
0xb4: {  	_ =	sfence  }
0xb5: {  	s28 =	sld [smem:$0x0];
	_ =	sdelay $0x1  }
0xb6: {  	s29 =	srdreg.scid  }
0xb7: {  	s30 =	sshll.u32 s29, $0xD;
	s31 =	sshrl.u32 s29, $0x2  }
0xb8: {  	s2 =	sand.u32 $0x4000, s30;
	s1 =	sand.u32 $0x1, s29;
	s0 =	sadd.s32 s31, s28  }
0xb9: {  	s1 =	sor.u32 s2, s1;
	s0 =	sshll.u32 s0, $0x11  }
0xba: {  	s0 =	sor.u32 s0, s1  }
0xbb: {  	s0 =	sadd.s32 $0x8F2B, s0  }
0xbc: {  	[sflag:s0] =	ssyncadd.remote.s32 $0x1  }
0xbd: {  	_ =	sfence.sel $0xFFFF  }
0xbe: {  	[dreg:$0x0] =	wrdreg $0xFFFFFFFF;
	(pc) =	sbr.abs _section_cstart, $3  }
0xbf: {  	[dreg:$0x1] =	wrdreg $0xFFFFFFFF  }
0xc0: {  	_ =	task.clear_ibuf [dreg:s5], $0x2FFFF;
	_ =	strace $0x9FFFFFFF  }
0xc1: {  	(tm) =	ssettm $0x7FFFFFFF  }
tec
execute0_lowered:
.L_overlay_start_1:
0x0: {  	(tag) =	ssettag $0x1  }
0x1: {  	s1 =	rddreg [dreg:$0x0];
	s2 =	stileid.u32  }
0x2: {  	s9 =	rddreg [dreg:$0x1];
	s10 =	sshrl.u32 s2, $0x3;
	s3 =	sshll.u32 s2, $0x7  }
0x3: {  	s4 =	rddreg [dreg:$0x2];
	s11 =	sand.u32 $0x380, s3;
	s6 =	sshll.u32 s10, $0xC  }
0x4: {  	s0 =	rddreg [dreg:$0x3];
	s6 =	sor.u32 s11, s6  }
0x5: {  	s5 =	simm.s32 $0x0;
	s12 =	simm.s32 $0x80;
	s6 =	sshrl.u32 s6, $0x3  }
0x6: {  	s13 =	simm.s32 $0x2;
	[smem:$0x7FF] =	sst s5;
	s7 =	sadd.s32 s6, s1  }
0x7: {  	_ =	strace $0x80000047;
	s6 =	simm.s32 $0x400;
	s8 =	sadd.s32 $0x5E00, s7  }
0x8: {  	[tilespmem:s5], [sflag:$0x2] =	stream.strided.gather [hbm4b:s8+s12], $0x200, s6, s12, $0x38;
	[tilespmem:$0x4F50] =	vst v63  }
0x9: {  	s28 =	smul.u32 $0x14400, s10;
	_ =	swait.ge [sflag:s13], $0x200  }
0xa: {  	s14 =	sadd.s32 $0x6200, s7;
	[sflag:s13] =	ssyncset.done $0x0  }
0xb: {  	s7 =	simm.s32 $0x200;
	s8 =	sor.u32 s11, s28;
	[sflag:s13] =	ssyncadd.s32 $0xFFFFFE00  }
0xc: {  	[tilespmem:s7], [sflag:$0x2] =	stream.strided.gather [hbm4b:s14+s12], $0x200, s6, s12, $0x38;
	[tilespmem:$0x4F50] =	vst v63  }
0xd: {  	s8 =	sshrl.u32 s8, $0x3;
	_ =	swait.ge [sflag:s13], $0x200  }
0xe: {  	s29 =	sshll.u32 s10, $0xB;
	s8 =	sadd.s32 s8, s1;
	[sflag:s13] =	ssyncset.done $0x0  }
0xf: {  	s8 =	sadd.s32 $0xC00, s8;
	s14 =	sor.u32 s11, s29;
	[sflag:s13] =	ssyncadd.s32 $0xFFFFFE00  }
0x10: {  	[tilespmem:s6], [sflag:$0x2] =	stream.strided.gather [hbm4b:s8+s12], $0x2880, s6, s12, $0x38;
	[tilespmem:$0x4F50] =	vst v63  }
0x11: {  	s30 =	sshrl.u32 s14, $0x3;
	_ =	swait.ge [sflag:s13], $0x2880  }
0x12: {  	s10 =	sshll.u32 s10, $0xA;
	s8 =	sadd.s32 s30, s1;
	[sflag:s13] =	ssyncset.done $0x0  }
0x13: {  	s31 =	sadd.s32 $0x6600, s8;
	s8 =	simm.s32 $0x2C80;
	[sflag:s13] =	ssyncadd.s32 $0xFFFFD780  }
0x14: {  	[tilespmem:s8], [sflag:$0x2] =	stream.strided.gather [hbm4b:s31+s12], $0x100, s6, s12, $0x38;
	[tilespmem:$0x4F50] =	vst v63  }
0x15: {  	s10 =	sor.u32 s11, s10;
	_ =	swait.ge [sflag:s13], $0x100  }
0x16: {  	s10 =	sshrl.u32 s10, $0x3;
	[sflag:s13] =	ssyncset.done $0x0  }
0x17: {  	s10 =	sadd.s32 s9, s10;
	s9 =	simm.s32 $0x2D80;
	[sflag:s13] =	ssyncadd.s32 $0xFFFFFF00  }
0x18: {  	[tilespmem:s9], [sflag:$0x2] =	stream.linear.gather [hbm4b:s10+s5], $0x80, $0x38;
	[tilespmem:$0x4F50] =	vst v63  }
0x19: {  	v3 =	vimm.f32 $0.0e+00;
	_ =	swait.ge [sflag:s13], $0x80  }
0x1a: {  	v4 =	vlaneseq.u32;
	v5 =	vimm.s32 $0x0;
	v0 =	vimm.f32 $0.0e+00;
	[sflag:s13] =	ssyncset.done $0x0  }
0x1b: {  	v1 =	vimm.f32 $0.0e+00;
	v2 =	vimm.f32 $0.0e+00;
	v6 =	vimm.f32 $0.0e+00;
	s1 =	sadd.s32 $0x6800, s1;
	s10 =	simm.s32 $0x0;
	[sflag:s13] =	ssyncadd.s32 $0xFFFFFF80  }
.LBB2_1:
0x1c: {  	v12 =	vor.u32 $0x1D, v5  }
0x1d: {  	v13 =	vor.u32 $0x1F, v5  }
0x1e: {  	v21 =	vor.u32 $0x3, v5  }
0x1f: {  	s11 =	sshll.u32 s10, $0x4;
	v22 =	vor.u32 $0x2, v5  }
0x20: {  	v24 =	vor.u32 $0x1, v5;
	v29 =	vld.idx.msk [tilespmem:v5+s8+$0x0], $0xffff;
	v11 =	vor.u32 s11, v4  }
0x21: {  	v10 =	vshll.u32 v11, $0x2;
	v25 =	vld.idx.msk [tilespmem:v12+s8+$0x0], $0xffff  }
0x22: {  	v9 =	vor.u32 $0x1, v10;
	v27 =	vld.idx.msk [tilespmem:v13+s8+$0x0], $0xffff  }
0x23: {  	v8 =	vor.u32 $0x2, v10;
	v34 =	vld.idx.msk [tilespmem:v21+s8+$0x0], $0xffff  }
0x24: {  	v7 =	vor.u32 $0x3, v10;
	v37 =	vld.idx.msk [tilespmem:v22+s8+$0x0], $0xffff  }
0x25: {  	v23 =	vimm.f32 $-1.000000000e+00;
	v26 =	vor.u32 $0x1E, v5;
	v24 =	vld.idx.msk [tilespmem:v24+s8+$0x0], $0xffff  }
0x26: {  	v20 =	vadd.s32 $0x20, v5;
	v28 =	vor.u32 $0xD, v5;
	v36 =	vor.u32 $0x6, v5;
	v16 =	vld.idx.msk [tilespmem:v10+s5+$0x0], $0xffff  }
0x27: {  	v30 =	vor.u32 $0x5, v5;
	v31 =	vor.u32 $0x11, v5;
	v39 =	vor.u32 $0x15, v5;
	v15 =	vld.idx.msk [tilespmem:v9+s5+$0x0], $0xffff  }
0x28: {  	v32 =	vor.u32 $0xA, v5;
	v33 =	vor.u32 $0x7, v5;
	v43 =	vor.u32 $0x13, v5;
	v18 =	vld.idx.msk [tilespmem:v8+s5+$0x0], $0xffff  }
0x29: {  	v35 =	vor.u32 $0x16, v5;
	v40 =	vor.u32 $0x17, v5;
	v13 =	vor.u32 $0x1C, v5;
	v19 =	vld.idx.msk [tilespmem:v7+s5+$0x0], $0xffff  }
0x2a: {  	v42 =	vor.u32 $0xB, v5;
	v44 =	vor.u32 $0xE, v5;
	v45 =	vor.u32 $0xF, v5;
	v26 =	vld.idx.msk [tilespmem:v26+s8+$0x0], $0xffff  }
0x2b: {  	v62 =	vor.u32 $0x12, v5;
	v52 =	vor.u32 $0x1B, v5;
	v36 =	vld.idx.msk [tilespmem:v36+s8+$0x0], $0xffff;
	v22 =	vsub.f32 v27, v25  }
0x2c: {  	v53 =	vor.u32 $0x19, v5;
	v12 =	vor.u32 $0x14, v5;
	v21 =	vor.u32 $0x8, v5;
	v39 =	vld.idx.msk [tilespmem:v39+s8+$0x0], $0xffff  }
0x2d: {  	v59 =	vld.idx.msk [tilespmem:v43+s8+$0x0], $0xffff;
	v46 =	vmax.f32 v22, $0.0e+00;
	v22 =	vor.u32 $0xC, v5;
	v14 =	vsub.f32 v18, v16  }
0x2e: {  	v50 =	vld.idx.msk [tilespmem:v13+s8+$0x0], $0xffff;
	v17 =	vsub.f32 v19, v15;
	v38 =	vmax.f32 v15, v25;
	v41 =	vmin.f32 v19, v27  }
0x2f: {  	v25 =	vld.idx.msk [tilespmem:v33+s8+$0x0], $0xffff;
	v33 =	vor.u32 $0x9, v5;
	v27 =	vmax.f32 v16, v29;
	v48 =	vmin.f32 v19, v34  }
0x30: {  	v40 =	vld.idx.msk [tilespmem:v40+s8+$0x0], $0xffff;
	v29 =	vsub.f32 v37, v29;
	v49 =	vmax.f32 v15, v24;
	v37 =	vmin.f32 v18, v37  }
0x31: {  	v24 =	vsub.f32 v34, v24;
	v54 =	vmin.f32 v18, v26;
	v58 =	vmin.f32 v18, v36  }
0x32: {  	v30 =	vld.idx.msk [tilespmem:v30+s8+$0x0], $0xffff;
	v60 =	vmin.f32 v19, v59;
	v48 =	vsub.f32 v48, v49;
	v27 =	vsub.f32 v37, v27  }
0x33: {  	v37 =	vld.idx.msk [tilespmem:v35+s8+$0x0], $0xffff;
	v35 =	vsub.f32 v41, v38;
	v14 =	vmax.f32 v14, $0.0e+00;
	v17 =	vmax.f32 v17, $0.0e+00  }
0x34: {  	v42 =	vld.idx.msk [tilespmem:v42+s8+$0x0], $0xffff;
	v29 =	vmax.f32 v29, $0.0e+00;
	v24 =	vmax.f32 v24, $0.0e+00;
	v61 =	vmax.f32 v16, v50  }
0x35: {  	v32 =	vld.idx.msk [tilespmem:v32+s8+$0x0], $0xffff;
	v26 =	vsub.f32 v26, v50;
	v50 =	vmax.f32 v15, v39;
	v39 =	vsub.f32 v40, v39  }
0x36: {  	v31 =	vld.idx.msk [tilespmem:v31+s8+$0x0], $0xffff;
	v40 =	vmin.f32 v19, v40;
	v14 =	vmul.f32 v17, v14;
	v17 =	vor.u32 $0x4, v5  }
0x37: {  	v44 =	vld.idx.msk [tilespmem:v44+s8+$0x0], $0xffff;
	v55 =	vmax.f32 v48, $0.0e+00;
	v27 =	vmax.f32 v27, $0.0e+00;
	v29 =	vmul.f32 v24, v29  }
0x38: {  	v34 =	vld.idx.msk [tilespmem:v45+s8+$0x0], $0xffff;
	v24 =	vor.u32 $0x10, v5;
	v50 =	vsub.f32 v40, v50;
	v35 =	vmax.f32 v35, $0.0e+00  }
0x39: {  	v27 =	vmul.f32 v55, v27;
	v63 =	vld.idx.msk [tilespmem:v22+s8+$0x0], $0xffff;
	v56 =	vmin.f32 v19, v25;
	v25 =	vsub.f32 v25, v30  }
0x3a: {  	v55 =	vld.idx.msk [tilespmem:v21+s8+$0x0], $0xffff;
	v39 =	vmax.f32 v39, $0.0e+00;
	v26 =	vmax.f32 v26, $0.0e+00;
	v29 =	vadd.f32 v29, v14  }
0x3b: {  	v33 =	vld.idx.msk [tilespmem:v33+s8+$0x0], $0xffff;
	v50 =	vmax.f32 v50, $0.0e+00;
	v51 =	vmin.f32 v18, v37;
	v49 =	vmax.f32 v25, $0.0e+00  }
0x3c: {  	v25 =	vmax.f32 v15, v30;
	v30 =	vsub.f32 v54, v61;
	v45 =	vsub.f32 v29, v27;
	v47 =	vld.idx.msk [tilespmem:v17+s8+$0x0], $0xffff  }
0x3d: {  	v28 =	vld.idx.msk [tilespmem:v28+s8+$0x0], $0xffff;
	v54 =	vmin.f32 v18, v32;
	v25 =	vsub.f32 v56, v25;
	v56 =	vsub.f32 v59, v31  }
0x3e: {  	v31 =	vmax.f32 v15, v31;
	v61 =	vld.idx.msk [tilespmem:v24+s8+$0x0], $0xffff;
	v59 =	vmin.f32 v19, v34;
	v40 =	vmax.f32 v16, v63  }
0x3f: {  	v43 =	vld.idx.msk [tilespmem:v62+s8+$0x0], $0xffff;
	v41 =	vsub.f32 v44, v63;
	v32 =	vsub.f32 v32, v55;
	v63 =	vmax.f32 v45, $9.999999930e-09  }
0x40: {  	v29 =	vmax.f32 v25, $0.0e+00;
	v25 =	vor.u32 $0x18, v5;
	v62 =	vmax.f32 v15, v33  }
0x41: {  	(erf) = vrcp.f32 v63;
	v63 =	vor.u32 $0x1A, v5;
	v57 =	vmax.f32 v16, v47  }
0x42: {  	v36 =	vsub.f32 v36, v47;
	v47 =	vsub.f32 v60, v31;
	v31 =	vmul.f32 v46, v26  }
0x43: {  	v26 =	vsub.f32 v42, v33;
	v33 =	vsub.f32 v34, v28;
	v45 =	vmax.f32 v16, v61  }
0x44: {  	v52 =	vld.idx.msk [tilespmem:v52+s8+$0x0], $0xffff;
	v38 =	vsub.f32 v43, v61;
	v46 =	vmax.f32 v16, v55;
	v48 =	vsub.f32 v58, v57  }
0x45: {  	v61 =	vmin.f32 v18, v43;
	v28 =	vmax.f32 v15, v28;
	v57 =	vmin.f32 v19, v42  }
0x46: {  	v46 =	vsub.f32 v54, v46;
	v61 =	vsub.f32 v61, v45;
	v48 =	vmax.f32 v48, $0.0e+00  }
0x47: {  	v28 =	vsub.f32 v59, v28;
	v29 =	vmul.f32 v29, v48;
	v48 =	vmin.f32 v18, v44  }
0x48: {  	v32 =	vmax.f32 v32, $0.0e+00;
	v34 =	vld.idx.msk [tilespmem:v53+s8+$0x0], $0xffff;
	v60 =	vsub.f32 v57, v62;
	v40 =	vsub.f32 v48, v40  }
0x49: {  	v53 =	vld.idx.msk [tilespmem:v12+s8+$0x0], $0xffff;
	v58 =	vmax.f32 v36, $0.0e+00;
	v36 =	vmin.f32 v19, v52;
	v62 =	vmax.f32 v38, $0.0e+00  }
0x4a: {  	v38 =	vmax.f32 v40, $0.0e+00;
	v40 =	vmax.f32 v60, $0.0e+00;
	v60 =	vmax.f32 v56, $0.0e+00  }
0x4b: {  	v26 =	vmax.f32 v26, $0.0e+00;
	v57 =	vmax.f32 v41, $0.0e+00;
	v41 =	vmul.f32 v60, v62  }
0x4c: {  	v33 =	vmax.f32 v33, $0.0e+00;
	v44 =	vmax.f32 v47, $0.0e+00;
	v47 =	vmax.f32 v61, $0.0e+00  }
0x4d: {  	v45 =	vld.idx.msk [tilespmem:v63+s8+$0x0], $0xffff;
	v42 =	vmul.f32 v33, v57;
	v33 =	vmul.f32 v44, v47;
	v41 =	vadd.f32 v41, v14  }
0x4e: {  	v26 =	vmul.f32 v26, v32;
	v37 =	vsub.f32 v37, v53;
	v62 =	vmax.f32 v16, v53  }
0x4f: {  	v46 =	vmax.f32 v46, $0.0e+00;
	v51 =	vsub.f32 v51, v62;
	v47 =	vsub.f32 v41, v33;
	v41 =	vld.idx.msk [tilespmem:v25+s8+$0x0], $0xffff  }
0x50: {  	v43 =	vsub.f32 v52, v34;
	v44 =	vadd.f32 v26, v14;
	v37 =	vmax.f32 v37, $0.0e+00  }
0x51: {  	v26 =	vimm.s32 $0x0;
	v37 =	vmul.f32 v39, v37;
	v63 =	vmax.f32 v51, $0.0e+00  }
0x52: {  	v48 =	vmin.f32 v18, v45;
	v32 =	vmul.f32 v50, v63;
	v50 =	vmul.f32 v49, v58  }
0x53: {  	s11 =	simm.s32 $0x0;
	v39 =	vpop (erf);
	v37 =	vadd.f32 v37, v14;
	v49 =	vmax.f32 v28, $0.0e+00;
	v28 =	vimm.s32 $0x0  }
.LBB2_2:
0x54: {  	s11 =	sadd.s32 $0x8, s11;
	v50 =	vadd.f32 v50, v14;
	v38 =	vmul.f32 v49, v38;
	v45 =	vsub.f32 v45, v41;
	v49 =	vmovc v20  }
0x55: {  	v40 =	vmul.f32 v40, v46;
	v41 =	vmax.f32 v16, v41;
	v43 =	vmax.f32 v43, $0.0e+00;
	p0 =	slt.u32 s11, $0x38  }
0x56: {  	v47 =	vmax.f32 v47, $9.999999930e-09;
	v46 =	vsub.f32 v50, v29;
	v45 =	vmax.f32 v45, $0.0e+00  }
0x57: {  	v34 =	vmax.f32 v15, v34;
	v31 =	vadd.f32 v31, v14;
	v43 =	vmul.f32 v43, v45  }
0x58: {  	v41 =	vsub.f32 v48, v41;
	v34 =	vsub.f32 v36, v34;
	v45 =	vmax.f32 v46, $9.999999930e-09  }
0x59: {  	v30 =	vmax.f32 v30, $0.0e+00;
	v36 =	vsub.f32 v44, v40;
	v43 =	vadd.f32 v43, v14  }
0x5a: {  	v30 =	vmul.f32 v35, v30;
	v41 =	vmax.f32 v41, $0.0e+00;
	v34 =	vmax.f32 v34, $0.0e+00  }
0x5b: {  	v35 =	vmax.f32 v36, $9.999999930e-09;
	v36 =	vadd.f32 v42, v14;
	v34 =	vmul.f32 v34, v41  }
0x5c: {  	v27 =	vmul.f32 v39, v27;
	v31 =	vsub.f32 v31, v30;
	(erf) = vrcp.f32 v45  }
0x5d: {  	v36 =	vsub.f32 v36, v38;
	v39 =	vsub.f32 v43, v34;
	(erf) = vrcp.f32 v47  }
0x5e: {  	vm0 =	vge.f32 v27, v23;
	v31 =	vmax.f32 v31, $9.999999930e-09;
	(erf) = vrcp.f32 v35  }
0x5f: {  	v35 =	vmax.f32 v36, $9.999999930e-09;
	v36 =	vsub.f32 v37, v32;
	v37 =	vmax.f32 v39, $9.999999930e-09  }
0x60: {  	(erf) = vrcp.f32 v37  }
0x61: {  	v36 =	vmax.f32 v36, $9.999999930e-09;
	(erf) = vrcp.f32 v35  }
0x62: {  	(erf) = vrcp.f32 v36  }
0x63: {  	(erf) = vrcp.f32 v31;
	_ =	sdelay $0x1  }
0x64: {  	v31 =	vpop (erf)  }
0x65: {  	v20 =	vadd.s32 $0x20, v20;
	v41 =	vmul.f32 v31, v29;
	v35 =	vpop (erf)  }
0x66: {  	v23 =	vsel vm0, v27, v23;
	v36 =	vor.u32 $0x14, v49;
	v29 =	vor.u32 $0xD, v49;
	v27 =	vpop (erf)  }
0x67: {  	v28 =	vsel vm0, v26, v28;
	v26 =	vmovc v49;
	vm0 =	vge.f32 v41, v23;
	v27 =	vmul.f32 v27, v40  }
0x68: {  	v39 =	vor.u32 $0x1F, v26;
	v37 =	vor.u32 $0x1D, v26;
	v23 =	vsel vm0, v41, v23;
	v31 =	vpop (erf)  }
0x69: {  	v17 =	vsel vm0, v17, v28;
	vm0 =	vge.f32 v27, v23;
	v28 =	vmul.f32 v31, v34;
	v31 =	vpop (erf)  }
0x6a: {  	v34 =	vor.u32 $0x11, v26;
	v23 =	vsel vm0, v27, v23;
	v27 =	vmul.f32 v31, v38;
	v31 =	vpop (erf)  }
0x6b: {  	v17 =	vsel vm0, v21, v17;
	v21 =	vmul.f32 v35, v33;
	v31 =	vmul.f32 v31, v32;
	v32 =	vpop (erf)  }
0x6c: {  	v33 =	vor.u32 $0x3, v26;
	v35 =	vor.u32 $0x1E, v26;
	vm0 =	vge.f32 v27, v23  }
0x6d: {  	v40 =	vor.u32 $0x2, v26;
	v38 =	vor.u32 $0x1, v26;
	v37 =	vld.idx.msk [tilespmem:v37+s8+$0x0], $0xffff;
	v23 =	vsel vm0, v27, v23  }
0x6e: {  	v30 =	vmul.f32 v32, v30;
	v17 =	vsel vm0, v22, v17;
	v27 =	vld.idx.msk [tilespmem:v39+s8+$0x0], $0xffff;
	vm0 =	vge.f32 v21, v23  }
0x6f: {  	v32 =	vor.u32 $0xA, v26;
	v21 =	vsel vm0, v21, v23;
	v22 =	vsel vm0, v24, v17  }
0x70: {  	v17 =	vor.u32 $0x4, v26;
	v24 =	vor.u32 $0x5, v26;
	v23 =	vld.idx.msk [tilespmem:v49+s8+$0x0], $0xffff;
	vm0 =	vge.f32 v31, v21  }
0x71: {  	v41 =	vor.u32 $0x16, v26;
	v39 =	vor.u32 $0x7, v26;
	v35 =	vld.idx.msk [tilespmem:v35+s8+$0x0], $0xffff;
	v21 =	vsel vm0, v31, v21  }
0x72: {  	v42 =	vsel vm0, v12, v22;
	v12 =	vmovc v36;
	v31 =	vld.idx.msk [tilespmem:v33+s8+$0x0], $0xffff;
	v33 =	vor.u32 $0x6, v26;
	vm0 =	vge.f32 v28, v21  }
0x73: {  	v43 =	vmax.f32 v15, v37;
	v36 =	vld.idx.msk [tilespmem:v40+s8+$0x0], $0xffff;
	v40 =	vor.u32 $0x1C, v26;
	v28 =	vsel vm0, v28, v21  }
0x74: {  	v44 =	vor.u32 $0x15, v26;
	v45 =	vor.u32 $0x17, v26;
	v46 =	vmin.f32 v19, v27;
	v38 =	vld.idx.msk [tilespmem:v38+s8+$0x0], $0xffff  }
0x75: {  	v48 =	vor.u32 $0x13, v26;
	v22 =	vsub.f32 v27, v37;
	v47 =	vld.idx.msk [tilespmem:v24+s8+$0x0], $0xffff;
	v24 =	vor.u32 $0xB, v26  }
0x76: {  	v21 =	vor.u32 $0x8, v26;
	vm1 =	vge.f32 v30, v28;
	v37 =	vld.idx.msk [tilespmem:v39+s8+$0x0], $0xffff;
	v39 =	vor.u32 $0x9, v26  }
0x77: {  	v49 =	vor.u32 $0xF, v26;
	v27 =	vor.u32 $0xE, v26;
	v50 =	vmax.f32 v22, $0.0e+00;
	v33 =	vld.idx.msk [tilespmem:v33+s8+$0x0], $0xffff  }
0x78: {  	v51 =	vmax.f32 v16, v23;
	v22 =	vor.u32 $0xC, v26;
	v53 =	vmin.f32 v18, v35;
	v52 =	vld.idx.msk [tilespmem:v17+s8+$0x0], $0xffff  }
0x79: {  	v54 =	vmin.f32 v19, v31;
	v55 =	vsub.f32 v36, v23;
	v23 =	vsel vm1, v30, v28;
	v56 =	vld.idx.msk [tilespmem:v40+s8+$0x0], $0xffff  }
0x7a: {  	v25 =	vsel vm0, v25, v42;
	v30 =	vmin.f32 v18, v36;
	v28 =	vmax.f32 v15, v38;
	v57 =	vld.idx.msk [tilespmem:v41+s8+$0x0], $0xffff  }
0x7b: {  	v31 =	vsub.f32 v31, v38;
	v36 =	vsub.f32 v54, v28;
	v41 =	vmax.f32 v55, $0.0e+00;
	v38 =	vld.idx.msk [tilespmem:v44+s8+$0x0], $0xffff  }
0x7c: {  	v43 =	vsub.f32 v46, v43;
	v30 =	vsub.f32 v30, v51;
	v28 =	vsel vm1, v13, v25;
	v42 =	vld.idx.msk [tilespmem:v45+s8+$0x0], $0xffff  }
0x7d: {  	v13 =	vmovc v40;
	v31 =	vmax.f32 v31, $0.0e+00;
	v25 =	vmax.f32 v36, $0.0e+00;
	v36 =	vmin.f32 v19, v37;
	v44 =	vld.idx.msk [tilespmem:v24+s8+$0x0], $0xffff  }
0x7e: {  	v40 =	vmin.f32 v18, v33;
	v24 =	vmax.f32 v30, $0.0e+00;
	v30 =	vmax.f32 v16, v52;
	v45 =	vld.idx.msk [tilespmem:v27+s8+$0x0], $0xffff  }
0x7f: {  	v27 =	vmul.f32 v25, v24;
	v25 =	vmul.f32 v31, v41;
	v24 =	vor.u32 $0x10, v26;
	v31 =	vld.idx.msk [tilespmem:v48+s8+$0x0], $0xffff  }
0x80: {  	v37 =	vsub.f32 v37, v47;
	v41 =	vmax.f32 v16, v56;
	v35 =	vsub.f32 v35, v56;
	v32 =	vld.idx.msk [tilespmem:v32+s8+$0x0], $0xffff  }
0x81: {  	v48 =	vmin.f32 v18, v57;
	v25 =	vadd.f32 v25, v14;
	v46 =	vmax.f32 v15, v38;
	v34 =	vld.idx.msk [tilespmem:v34+s8+$0x0], $0xffff  }
0x82: {  	v51 =	vor.u32 $0x12, v26;
	v40 =	vsub.f32 v40, v30;
	v37 =	vmax.f32 v37, $0.0e+00;
	v49 =	vld.idx.msk [tilespmem:v49+s8+$0x0], $0xffff  }
0x83: {  	v47 =	vmax.f32 v15, v47;
	v30 =	vsub.f32 v53, v41;
	v38 =	vsub.f32 v42, v38;
	v54 =	vld.idx.msk [tilespmem:v22+s8+$0x0], $0xffff  }
0x84: {  	v41 =	vor.u32 $0x1B, v26;
	v53 =	vsub.f32 v25, v27;
	v25 =	vsub.f32 v36, v47;
	v36 =	vld.idx.msk [tilespmem:v24+s8+$0x0], $0xffff  }
0x85: {  	v33 =	vsub.f32 v33, v52;
	v52 =	vor.u32 $0x19, v26;
	v47 =	vmin.f32 v19, v31;
	v39 =	vld.idx.msk [tilespmem:v39+s8+$0x0], $0xffff  }
0x86: {  	v42 =	vmin.f32 v19, v42;
	v55 =	vmax.f32 v25, $0.0e+00;
	v58 =	vmin.f32 v18, v32;
	v56 =	vld.idx.msk [tilespmem:v21+s8+$0x0], $0xffff  }
0x87: {  	v40 =	vmax.f32 v40, $0.0e+00;
	v25 =	vor.u32 $0x18, v26;
	v60 =	vsub.f32 v31, v34;
	v59 =	vld.idx.msk [tilespmem:v29+s8+$0x0], $0xffff  }
0x88: {  	v31 =	vmax.f32 v15, v34;
	v29 =	vmul.f32 v55, v40;
	v40 =	vmin.f32 v18, v45;
	v51 =	vld.idx.msk [tilespmem:v51+s8+$0x0], $0xffff  }
0x89: {  	v42 =	vsub.f32 v42, v46;
	v55 =	vmin.f32 v19, v44;
	v47 =	vsub.f32 v47, v31;
	v46 =	vld.idx.msk [tilespmem:v41+s8+$0x0], $0xffff  }
0x8a: {  	v61 =	vmax.f32 v33, $0.0e+00;
	v62 =	vmax.f32 v38, $0.0e+00;
	v33 =	vmax.f32 v16, v54;
	v34 =	vld.idx.msk [tilespmem:v52+s8+$0x0], $0xffff  }
0x8b: {  	v31 =	vmax.f32 v35, $0.0e+00;
	v45 =	vsub.f32 v45, v54;
	v52 =	vmin.f32 v19, v49  }
0x8c: {  	v31 =	vmul.f32 v50, v31;
	v35 =	vmax.f32 v15, v39;
	v32 =	vsub.f32 v32, v56;
	v41 =	vld.idx.msk [tilespmem:v25+s8+$0x0], $0xffff  }
0x8d: {  	v38 =	vsub.f32 v44, v39;
	v44 =	vmax.f32 v47, $0.0e+00;
	v39 =	vsub.f32 v49, v59  }
0x8e: {  	v47 =	vmax.f32 v53, $9.999999930e-09;
	v49 =	vmax.f32 v16, v36;
	v50 =	vsub.f32 v51, v36  }
0x8f: {  	v53 =	vmax.f32 v16, v56;
	v54 =	vsub.f32 v55, v35;
	v36 =	vmin.f32 v19, v46;
	v55 =	vld.idx.msk [tilespmem:v12+s8+$0x0], $0xffff  }
0x90: {  	v32 =	vmax.f32 v32, $0.0e+00;
	v51 =	vmin.f32 v18, v51;
	(erf) = vrcp.f32 v47  }
0x91: {  	v33 =	vsub.f32 v40, v33;
	v47 =	vmax.f32 v50, $0.0e+00;
	v50 =	vor.u32 $0x1A, v26  }
0x92: {  	v35 =	vmax.f32 v43, $0.0e+00;
	v38 =	vmax.f32 v38, $0.0e+00;
	v56 =	vmax.f32 v15, v59  }
0x93: {  	v59 =	vmul.f32 v38, v32;
	v38 =	vmax.f32 v33, $0.0e+00;
	v32 =	vmax.f32 v45, $0.0e+00  }
0x94: {  	v40 =	vmax.f32 v54, $0.0e+00;
	v33 =	vmax.f32 v60, $0.0e+00;
	v43 =	vsub.f32 v46, v34  }
0x95: {  	v46 =	vsub.f32 v58, v53;
	v53 =	vmax.f32 v42, $0.0e+00;
	v42 =	vsub.f32 v57, v55  }
0x96: {  	v49 =	vsub.f32 v51, v49;
	v33 =	vmul.f32 v33, v47;
	v47 =	vmax.f32 v16, v55;
	v45 =	vld.idx.msk [tilespmem:v50+s8+$0x0], $0xffff  }
0x97: {  	v47 =	vsub.f32 v48, v47;
	v50 =	vmax.f32 v39, $0.0e+00;
	v42 =	vmax.f32 v42, $0.0e+00  }
.Ltmp0:
0x98: {  	v51 =	vadd.f32 v33, v14;
	v48 =	vmax.f32 v49, $0.0e+00;
	v49 =	vmul.f32 v62, v42;
	(pc) =	sbr.rel @p0 .LBB2_2-.Ltmp0, $4  }
0x99: {  	v46 =	vmax.f32 v46, $0.0e+00;
	v42 =	vmul.f32 v50, v32;
	v32 =	vmax.f32 v47, $0.0e+00;
	v39 =	vpop (erf)  }
0x9a: {  	v33 =	vmul.f32 v44, v48;
	v47 =	vsub.f32 v52, v56;
	v32 =	vmul.f32 v53, v32  }
0x9b: {  	v44 =	vadd.f32 v59, v14;
	v50 =	vmul.f32 v37, v61;
	v37 =	vadd.f32 v49, v14  }
0x9c: {  	v49 =	vmax.f32 v47, $0.0e+00;
	v47 =	vsub.f32 v51, v33;
	v48 =	vmin.f32 v18, v45  }
0x9d: {  	v18 =	vadd.f32 v50, v14;
	v19 =	vsub.f32 v45, v41  }
0x9e: {  	v16 =	vmax.f32 v16, v41;
	v20 =	vmax.f32 v43, $0.0e+00;
	v15 =	vmax.f32 v15, v34  }
0x9f: {  	v16 =	vsub.f32 v48, v16;
	v15 =	vsub.f32 v36, v15;
	v19 =	vmax.f32 v19, $0.0e+00  }
0xa0: {  	v53 =	vmul.f32 v40, v46;
	v19 =	vmul.f32 v20, v19  }
0xa1: {  	v18 =	vsub.f32 v18, v29;
	v16 =	vmax.f32 v16, $0.0e+00;
	v15 =	vmax.f32 v15, $0.0e+00  }
0xa2: {  	v54 =	vadd.f32 v42, v14;
	v15 =	vmul.f32 v15, v16;
	v19 =	vadd.f32 v19, v14  }
0xa3: {  	v20 =	vmul.f32 v49, v38;
	v16 =	vmax.f32 v18, $9.999999930e-09;
	v18 =	vsub.f32 v44, v53  }
0xa4: {  	v55 =	vmax.f32 v47, $9.999999930e-09;
	(erf) = vrcp.f32 v16;
	v16 =	vsub.f32 v19, v15  }
0xa5: {  	v18 =	vmax.f32 v18, $9.999999930e-09;
	(erf) = vrcp.f32 v55;
	v19 =	vsub.f32 v54, v20  }
0xa6: {  	(erf) = vrcp.f32 v18;
	v16 =	vmax.f32 v16, $9.999999930e-09  }
0xa7: {  	v18 =	vmax.f32 v19, $9.999999930e-09;
	(erf) = vrcp.f32 v16  }
0xa8: {  	v16 =	vsub.f32 v37, v32;
	(erf) = vrcp.f32 v18;
	_ =	sdelay $0x1  }
0xa9: {  	v18 =	vmax.f32 v30, $0.0e+00;
	v16 =	vmax.f32 v16, $9.999999930e-09  }
0xaa: {  	v14 =	vadd.f32 v31, v14;
	v19 =	vmul.f32 v39, v27;
	v18 =	vmul.f32 v35, v18  }
0xab: {  	(erf) = vrcp.f32 v16  }
0xac: {  	vm0 =	vge.f32 v19, v23;
	v14 =	vsub.f32 v14, v18;
	v16 =	vpop (erf)  }
0xad: {  	v19 =	vsel vm0, v19, v23;
	v16 =	vmul.f32 v16, v29;
	v27 =	vpop (erf)  }
0xae: {  	v14 =	vmax.f32 v14, $9.999999930e-09;
	v23 =	vpop (erf)  }
0xaf: {  	(erf) = vrcp.f32 v14;
	vm1 =	vge.f32 v16, v19;
	v14 =	vmul.f32 v23, v53;
	v23 =	vpop (erf)  }
0xb0: {  	v16 =	vsel vm1, v16, v19;
	v19 =	vpop (erf)  }
0xb1: {  	vm2 =	vge.f32 v14, v16;
	v19 =	vmul.f32 v19, v20  }
0xb2: {  	v14 =	vsel vm2, v14, v16  }
0xb3: {  	v16 =	vmul.f32 v27, v33;
	vm3 =	vge.f32 v19, v14  }
0xb4: {  	v20 =	vpop (erf);
	v14 =	vsel vm3, v19, v14;
	v19 =	vsel vm0, v26, v28  }
0xb5: {  	v20 =	vmul.f32 v20, v32;
	vm0 =	vge.f32 v16, v14;
	v17 =	vsel vm1, v17, v19  }
0xb6: {  	v14 =	vsel vm0, v16, v14  }
0xb7: {  	v15 =	vmul.f32 v23, v15;
	v16 =	vsel vm2, v21, v17;
	vm1 =	vge.f32 v20, v14  }
0xb8: {  	v16 =	vsel vm3, v22, v16;
	v17 =	vpop (erf);
	v14 =	vsel vm1, v20, v14  }
0xb9: {  	v16 =	vsel vm0, v24, v16;
	v17 =	vmul.f32 v17, v18;
	vm0 =	vge.f32 v15, v14  }
0xba: {  	v20 =	vmul.u32 $0x51, v11;
	v12 =	vsel vm1, v12, v16;
	v14 =	vsel vm0, v15, v14  }
0xbb: {  	v19 =	vimm.s32 $0x0;
	v12 =	vsel vm0, v25, v12;
	vm1 =	vge.f32 v17, v14  }
0xbc: {  	v18 =	vadd.s32 v20, v19;
	v13 =	vsel vm1, v13, v12  }
0xbd: {  	v21 =	vadd.s32 $0x1, v20;
	v11 =	vshra.s32 v13, $0x2  }
0xbe: {  	v12 =	vadd.s32 v21, v19;
	_ =	sdelay $0x1  }
0xbf: {  	v22 =	vadd.s32 $0x2, v20;
	v25 =	vadd.s32 $0x1, v13  }
0xc0: {  	v15 =	vadd.s32 v22, v19;
	v27 =	vld.idx.msk [tilespmem:v18+s6+$0x0], $0xffff  }
0xc1: {  	v23 =	vadd.s32 $0x3, v20;
	v26 =	vadd.s32 $0x2, v13;
	v11 =	vld.idx.msk [tilespmem:v11+s9+$0x0], $0xffff  }
0xc2: {  	v24 =	vadd.s32 $0x4, v20;
	v28 =	vadd.s32 v23, v19;
	v29 =	vld.idx.msk [tilespmem:v12+s6+$0x0], $0xffff  }
0xc3: {  	v57 =	vadd.s32 v24, v19;
	v16 =	vld.idx.msk [tilespmem:v13+s8+$0x0], $0xffff  }
0xc4: {  	v12 =	vsel vm1, v17, v14;
	v13 =	vadd.s32 $0x3, v13;
	v17 =	vld.idx.msk [tilespmem:v25+s8+$0x0], $0xffff;
	v25 =	vadd.s32 $0x5, v20  }
0xc5: {  	v31 =	vimm.f32 $-1.000000020e+30;
	v62 =	vadd.s32 $0x1, v19;
	v56 =	vld.idx.msk [tilespmem:v15+s6+$0x0], $0xffff;
	v58 =	vadd.s32 v25, v19  }
0xc6: {  	v14 =	vld.idx.msk [tilespmem:v26+s8+$0x0], $0xffff;
	v26 =	vadd.s32 $0x6, v20;
	vm0 =	vgt.f32 v27, v31;
	v30 =	vadd.s32 v20, v11  }
0xc7: {  	v63 =	vadd.s32 $0x2, v19;
	v60 =	vadd.s32 v26, v19;
	v59 =	vsel vm0, v27, v31;
	v31 =	vld.idx.msk [tilespmem:v28+s6+$0x0], $0xffff  }
0xc8: {  	v36 =	vadd.s32 $0x3, v19;
	v32 =	vld.idx.msk [tilespmem:v57+s6+$0x0], $0xffff;
	v27 =	vadd.s32 $0x7, v20;
	vm1 =	vgt.f32 v29, v59  }
0xc9: {  	v28 =	vadd.s32 $0x8, v20;
	v15 =	vld.idx.msk [tilespmem:v13+s8+$0x0], $0xffff;
	v37 =	vadd.s32 v27, v19;
	v29 =	vsel vm1, v29, v59  }
0xca: {  	v61 =	vsel vm0, v19, v19;
	v38 =	vadd.s32 v28, v19;
	vm0 =	vgt.f32 v56, v29;
	v33 =	vld.idx.msk [tilespmem:v58+s6+$0x0], $0xffff  }
0xcb: {  	v39 =	vsel vm0, v56, v29;
	v29 =	vimm.s32 $0x0;
	v13 =	vld.idx.msk [tilespmem:v30+s6+$0x0], $0xffff;
	v30 =	vsel vm1, v62, v61  }
0xcc: {  	s11 =	simm.s32 $0x0;
	v35 =	vld.idx.msk [tilespmem:v60+s6+$0x0], $0xffff;
	vm3 =	vgt.f32 v31, v39;
	v34 =	vsel vm0, v63, v30;
	v30 =	vadd.s32 $0x9, v19  }
.LBB2_4:
0xcd: {  	v40 =	vadd.s32 v20, v30;
	s11 =	sadd.s32 $0x9, s11;
	v31 =	vsel vm3, v31, v39;
	v34 =	vsel vm3, v36, v34  }
0xce: {  	v36 =	vadd.s32 $0x4, v29;
	p0 =	slt.u32 s11, $0x48;
	vm0 =	vgt.f32 v32, v31;
	v37 =	vld.idx.msk [tilespmem:v37+s6+$0x0], $0xffff  }
0xcf: {  	v39 =	vadd.s32 v21, v30;
	v31 =	vsel vm0, v32, v31;
	v32 =	vsel vm0, v36, v34  }
0xd0: {  	v34 =	vadd.s32 $0x5, v29;
	vm0 =	vgt.f32 v33, v31;
	v36 =	vld.idx.msk [tilespmem:v38+s6+$0x0], $0xffff  }
0xd1: {  	v38 =	vadd.s32 v22, v30;
	v31 =	vsel vm0, v33, v31;
	v32 =	vsel vm0, v34, v32  }
0xd2: {  	v34 =	vadd.s32 $0x6, v29;
	v33 =	vld.idx.msk [tilespmem:v40+s6+$0x0], $0xffff;
	vm0 =	vgt.f32 v35, v31  }
0xd3: {  	v40 =	vadd.s32 v23, v30;
	v31 =	vsel vm0, v35, v31;
	v32 =	vsel vm0, v34, v32  }
0xd4: {  	v35 =	vadd.s32 $0x7, v29;
	v34 =	vld.idx.msk [tilespmem:v39+s6+$0x0], $0xffff;
	vm0 =	vgt.f32 v37, v31  }
0xd5: {  	v39 =	vadd.s32 v24, v30;
	v31 =	vsel vm0, v37, v31;
	v32 =	vsel vm0, v35, v32  }
0xd6: {  	v37 =	vadd.s32 $0x8, v29;
	v29 =	vmov v30;
	v35 =	vld.idx.msk [tilespmem:v38+s6+$0x0], $0xffff;
	vm0 =	vgt.f32 v36, v31  }
0xd7: {  	v38 =	vadd.s32 v25, v30;
	v36 =	vsel vm0, v36, v31;
	v32 =	vsel vm0, v37, v32  }
0xd8: {  	vm0 =	vgt.f32 v33, v36;
	v31 =	vld.idx.msk [tilespmem:v40+s6+$0x0], $0xffff  }
0xd9: {  	v40 =	vadd.s32 v26, v30;
	v33 =	vsel vm0, v33, v36;
	v36 =	vsel vm0, v30, v32  }
.Ltmp1:
0xda: {  	v37 =	vadd.s32 $0x1, v30;
	vm0 =	vgt.f32 v34, v33;
	v32 =	vld.idx.msk [tilespmem:v39+s6+$0x0], $0xffff;
	(pc) =	sbr.rel @p0 .LBB2_4-.Ltmp1, $4  }
0xdb: {  	v34 =	vsel vm0, v34, v33;
	v36 =	vsel vm0, v37, v36;
	v37 =	vadd.s32 v27, v30  }
0xdc: {  	v41 =	vadd.s32 $0x2, v30;
	vm0 =	vgt.f32 v35, v34;
	v33 =	vld.idx.msk [tilespmem:v38+s6+$0x0], $0xffff  }
0xdd: {  	v38 =	vadd.s32 v28, v30;
	v39 =	vsel vm0, v35, v34;
	v34 =	vsel vm0, v41, v36  }
0xde: {  	v30 =	vadd.s32 $0x9, v30;
	v36 =	vadd.s32 $0x3, v29;
	vm3 =	vgt.f32 v31, v39;
	v35 =	vld.idx.msk [tilespmem:v40+s6+$0x0], $0xffff  }
0xdf: {  	_ =	sdelay $0x1  }
0xe0: {  	v30 =	vsel vm3, v31, v39  }
0xe1: {  	vm5 =	vgt.f32 v32, v30  }
0xe2: {  	v31 =	vld.idx.msk [tilespmem:v37+s6+$0x0], $0xffff;
	v30 =	vsel vm5, v32, v30  }
0xe3: {  	v63 =	vadd.s32 v19, v21;
	vm4 =	vgt.f32 v33, v30  }
0xe4: {  	v40 =	vld.idx.msk [tilespmem:v38+s6+$0x0], $0xffff;
	v30 =	vsel vm4, v33, v30  }
0xe5: {  	v41 =	vadd.s32 v19, v22;
	vm2 =	vgt.f32 v35, v30  }
0xe6: {  	v42 =	vld.idx.msk [tilespmem:v18+s6+$0x0], $0xffff;
	v30 =	vsel vm2, v35, v30  }
0xe7: {  	v43 =	vadd.s32 v19, v23;
	vm1 =	vgt.f32 v31, v30  }
0xe8: {  	v32 =	vld.idx.msk [tilespmem:v63+s6+$0x0], $0xffff;
	v18 =	vsel vm1, v31, v30;
	v30 =	vadd.s32 v19, v24  }
0xe9: {  	vm0 =	vgt.f32 v40, v18  }
0xea: {  	v45 =	vadd.s32 v19, v25;
	v31 =	vld.idx.msk [tilespmem:v41+s6+$0x0], $0xffff;
	v18 =	vsel vm0, v40, v18  }
0xeb: {  	v44 =	vsub.f32 v42, v18  }
0xec: {  	v34 =	vsel vm3, v36, v34;
	v47 =	vadd.s32 $0x4, v29;
	v46 =	vld.idx.msk [tilespmem:v43+s6+$0x0], $0xffff  }
0xed: {  	v48 =	vadd.s32 v19, v26;
	v32 =	vsub.f32 v32, v18;
	v33 =	vmul.f32 $1.442695020e+00, v44;
	v30 =	vld.idx.msk [tilespmem:v30+s6+$0x0], $0xffff  }
0xee: {  	v49 =	vadd.s32 $0x5, v29;
	v50 =	vadd.s32 v19, v27;
	v53 =	vadd.s32 $0x9, v19  }
0xef: {  	v51 =	vld.idx.msk [tilespmem:v45+s6+$0x0], $0xffff;
	v31 =	vsub.f32 v31, v18;
	v32 =	vmul.f32 $1.442695020e+00, v32;
	(erf) = vpow2.f32 v33  }
0xf0: {  	v52 =	vadd.s32 v19, v28;
	v54 =	vadd.s32 v20, v53;
	v34 =	vsel vm5, v47, v34  }
0xf1: {  	v19 =	vsub.f32 v46, v18;
	v31 =	vmul.f32 $1.442695020e+00, v31;
	(erf) = vpow2.f32 v32  }
0xf2: {  	v56 =	vadd.s32 v53, v21;
	v34 =	vsel vm4, v49, v34;
	v55 =	vld.idx.msk [tilespmem:v48+s6+$0x0], $0xffff;
	v30 =	vsub.f32 v30, v18  }
0xf3: {  	v19 =	vmul.f32 $1.442695020e+00, v19;
	v33 =	vld.idx.msk [tilespmem:v50+s6+$0x0], $0xffff;
	(erf) = vpow2.f32 v31;
	v31 =	vadd.s32 $0x6, v29  }
0xf4: {  	v32 =	vsub.f32 v51, v18;
	v31 =	vsel vm2, v31, v34;
	v30 =	vmul.f32 $1.442695020e+00, v30  }
0xf5: {  	v35 =	vld.idx.msk [tilespmem:v52+s6+$0x0], $0xffff;
	(erf) = vpow2.f32 v19;
	v19 =	vadd.s32 $0x7, v29;
	v29 =	vadd.s32 $0x8, v29  }
0xf6: {  	v19 =	vsel vm1, v19, v31;
	(erf) = vpow2.f32 v30;
	v30 =	vmul.f32 $1.442695020e+00, v32  }
0xf7: {  	v36 =	vld.idx.msk [tilespmem:v54+s6+$0x0], $0xffff;
	v31 =	vadd.s32 v53, v22;
	v19 =	vsel vm0, v29, v19;
	v29 =	vsub.f32 v55, v18  }
0xf8: {  	v57 =	vimm.f32 $0.0e+00;
	v59 =	vadd.s32 v53, v23;
	v33 =	vsub.f32 v33, v18;
	v58 =	vpop (erf)  }
0xf9: {  	v34 =	vld.idx.msk [tilespmem:v56+s6+$0x0], $0xffff;
	v29 =	vmul.f32 $1.442695020e+00, v29;
	(erf) = vpow2.f32 v30;
	v32 =	vadd.f32 v58, v57  }
0xfa: {  	v40 =	vadd.s32 v53, v24;
	v35 =	vsub.f32 v35, v18;
	v30 =	vpop (erf)  }
0xfb: {  	v33 =	vmul.f32 $1.442695020e+00, v33;
	(erf) = vpow2.f32 v29;
	v30 =	vadd.f32 v30, v32  }
0xfc: {  	v60 =	vadd.s32 v53, v25;
	v41 =	vmul.f32 $1.442695020e+00, v35;
	v31 =	vld.idx.msk [tilespmem:v31+s6+$0x0], $0xffff;
	v29 =	vsub.f32 v36, v18;
	v61 =	vpop (erf)  }
0xfd: {  	v35 =	vld.idx.msk [tilespmem:v59+s6+$0x0], $0xffff;
	v32 =	vadd.s32 v53, v26;
	(erf) = vpow2.f32 v33;
	v36 =	vadd.f32 v61, v30  }
0xfe: {  	v42 =	vsub.f32 v34, v18;
	v62 =	vpop (erf);
	v43 =	vmul.f32 $1.442695020e+00, v29  }
0xff: {  	v34 =	vld.idx.msk [tilespmem:v40+s6+$0x0], $0xffff;
	(erf) = vpow2.f32 v41;
	v30 =	vadd.s32 v53, v27;
	v44 =	vadd.f32 v62, v36  }
0x100: {  	v37 =	vmul.f32 $1.442695020e+00, v42;
	v29 =	vadd.s32 $0x9, v53;
	(erf) = vpow2.f32 v43;
	v63 =	vpop (erf)  }
0x101: {  	s11 =	simm.s32 $0x9;
	v33 =	vld.idx.msk [tilespmem:v60+s6+$0x0], $0xffff;
	v36 =	vsub.f32 v31, v18;
	v31 =	vadd.s32 v53, v28;
	v38 =	vadd.f32 v63, v44  }
.LBB2_6:
0x102: {  	v39 =	vadd.s32 v20, v29;
	v35 =	vsub.f32 v35, v18;
	v32 =	vld.idx.msk [tilespmem:v32+s6+$0x0], $0xffff;
	v40 =	vpop (erf)  }
0x103: {  	v36 =	vmul.f32 $1.442695020e+00, v36;
	(erf) = vpow2.f32 v37;
	v37 =	vadd.f32 v40, v38  }
0x104: {  	s11 =	sadd.s32 $0x9, s11;
	v38 =	vadd.s32 v29, v21;
	v34 =	vsub.f32 v34, v18;
	v30 =	vld.idx.msk [tilespmem:v30+s6+$0x0], $0xffff;
	v40 =	vpop (erf)  }
0x105: {  	p0 =	slt.u32 s11, $0x48;
	v35 =	vmul.f32 $1.442695020e+00, v35;
	(erf) = vpow2.f32 v36;
	v36 =	vadd.f32 v40, v37  }
0x106: {  	v37 =	vadd.s32 v29, v22;
	v33 =	vsub.f32 v33, v18;
	v31 =	vld.idx.msk [tilespmem:v31+s6+$0x0], $0xffff;
	v40 =	vpop (erf)  }
0x107: {  	v34 =	vmul.f32 $1.442695020e+00, v34;
	(erf) = vpow2.f32 v35;
	v41 =	vadd.f32 v40, v36  }
0x108: {  	v32 =	vsub.f32 v32, v18;
	v36 =	vld.idx.msk [tilespmem:v39+s6+$0x0], $0xffff;
	v39 =	vadd.s32 v29, v23;
	v40 =	vpop (erf)  }
0x109: {  	v33 =	vmul.f32 $1.442695020e+00, v33;
	(erf) = vpow2.f32 v34;
	v34 =	vadd.f32 v40, v41  }
0x10a: {  	v40 =	vadd.s32 v29, v24;
	v30 =	vsub.f32 v30, v18;
	v38 =	vld.idx.msk [tilespmem:v38+s6+$0x0], $0xffff;
	v35 =	vpop (erf)  }
0x10b: {  	v32 =	vmul.f32 $1.442695020e+00, v32;
	v34 =	vadd.f32 v35, v34;
	(erf) = vpow2.f32 v33  }
0x10c: {  	v31 =	vsub.f32 v31, v18;
	v33 =	vld.idx.msk [tilespmem:v37+s6+$0x0], $0xffff;
	v37 =	vadd.s32 v29, v25;
	v35 =	vpop (erf)  }
0x10d: {  	v30 =	vmul.f32 $1.442695020e+00, v30;
	v34 =	vadd.f32 v35, v34;
	(erf) = vpow2.f32 v32  }
0x10e: {  	v36 =	vsub.f32 v36, v18;
	v32 =	vadd.s32 v29, v26;
	v35 =	vld.idx.msk [tilespmem:v39+s6+$0x0], $0xffff;
	v39 =	vpop (erf)  }
.Ltmp2:
0x10f: {  	v31 =	vmul.f32 $1.442695020e+00, v31;
	v39 =	vadd.f32 v39, v34;
	(erf) = vpow2.f32 v30;
	(pc) =	sbr.rel @p0 .LBB2_6-.Ltmp2, $4  }
0x110: {  	v38 =	vsub.f32 v38, v18;
	v30 =	vadd.s32 v29, v27;
	v34 =	vld.idx.msk [tilespmem:v40+s6+$0x0], $0xffff;
	v40 =	vpop (erf)  }
0x111: {  	v41 =	vmul.f32 $1.442695020e+00, v36;
	v39 =	vadd.f32 v40, v39;
	(erf) = vpow2.f32 v31  }
0x112: {  	v36 =	vsub.f32 v33, v18;
	v31 =	vadd.s32 v29, v28;
	v29 =	vadd.s32 $0x9, v29;
	v33 =	vld.idx.msk [tilespmem:v37+s6+$0x0], $0xffff;
	v40 =	vpop (erf)  }
0x113: {  	v37 =	vmul.f32 $1.442695020e+00, v38;
	(erf) = vpow2.f32 v41;
	v38 =	vadd.f32 v40, v39  }
0x114: {  	_ =	sdelay $0x2  }
0x115: {  	v20 =	vsub.f32 v35, v18;
	v21 =	vpop (erf)  }
0x116: {  	v22 =	vld.idx.msk [tilespmem:v32+s6+$0x0], $0xffff;
	v23 =	vmul.f32 $1.442695020e+00, v36;
	(erf) = vpow2.f32 v37;
	v21 =	vadd.f32 v21, v38  }
0x117: {  	v24 =	vsub.f32 v34, v18;
	v25 =	vpop (erf)  }
0x118: {  	v26 =	vld.idx.msk [tilespmem:v30+s6+$0x0], $0xffff;
	v20 =	vmul.f32 $1.442695020e+00, v20;
	(erf) = vpow2.f32 v23;
	v21 =	vadd.f32 v25, v21  }
0x119: {  	v62 =	vsub.f32 v33, v18;
	v63 =	vpop (erf)  }
0x11a: {  	v27 =	vld.idx.msk [tilespmem:v31+s6+$0x0], $0xffff;
	v24 =	vmul.f32 $1.442695020e+00, v24;
	(erf) = vpow2.f32 v20;
	v30 =	vadd.f32 v63, v21  }
0x11b: {  	v31 =	vsub.f32 v22, v18;
	v32 =	vpop (erf)  }
0x11c: {  	v23 =	vmul.f32 $1.442695020e+00, v62;
	(erf) = vpow2.f32 v24;
	v20 =	vadd.f32 v32, v30  }
0x11d: {  	v33 =	vsub.f32 v26, v18;
	v34 =	vpop (erf)  }
0x11e: {  	v21 =	vmul.f32 $1.442695020e+00, v31;
	(erf) = vpow2.f32 v23;
	v20 =	vadd.f32 v34, v20  }
0x11f: {  	v35 =	vsub.f32 v27, v18;
	v36 =	vpop (erf)  }
0x120: {  	v22 =	vmul.f32 $1.442695020e+00, v33;
	(erf) = vpow2.f32 v21;
	v20 =	vadd.f32 v36, v20  }
0x121: {  	v37 =	vpop (erf)  }
0x122: {  	v38 =	vmul.f32 $1.442695020e+00, v35;
	(erf) = vpow2.f32 v22;
	v20 =	vadd.f32 v37, v20  }
0x123: {  	v39 =	vpop (erf)  }
0x124: {  	(erf) = vpow2.f32 v38;
	v20 =	vadd.f32 v39, v20  }
0x125: {  	v40 =	vpop (erf)  }
0x126: {  	v20 =	vadd.f32 v40, v20  }
0x127: {  	v41 =	vpop (erf)  }
0x128: {  	v20 =	vadd.f32 v41, v20  }
0x129: {  	v42 =	vpop (erf)  }
0x12a: {  	v20 =	vadd.f32 v42, v20  }
0x12b: {  	v43 =	vpop (erf)  }
0x12c: {  	v20 =	vadd.f32 v43, v20  }
0x12d: {  	v44 =	vpop (erf)  }
0x12e: {  	v20 =	vadd.f32 v44, v20  }
0x12f: {  	v49 =	vmul.f32 $6.250000000e-02, v14  }
0x130: {  	v21 =	vand.u32 $0x7FFFFF, v20  }
0x131: {  	v48 =	vmul.f32 $6.250000000e-02, v17;
	v25 =	vadd.f32 $5.000000000e-01, v49;
	v21 =	vor.u32 $0x3F800000, v21  }
0x132: {  	v56 =	vmul.f32 $6.250000000e-02, v15;
	v45 =	vmul.f32 $5.000000000e-01, v21  }
0x133: {  	v29 =	vtrunc.f32 v25;
	v24 =	vadd.f32 $5.000000000e-01, v48;
	vm0 =	vgt.f32 v21, $1.414213540e+00  }
0x134: {  	v53 =	vcvt.f32.s32 v29;
	v29 =	vadd.f32 $5.000000000e-01, v56;
	v21 =	vsel vm0, v45, v21  }
0x135: {  	v46 =	vmul.f32 $6.250000000e-02, v16;
	v28 =	vtrunc.f32 v24;
	v22 =	vadd.f32 $1.000000000e+00, v21  }
0x136: {  	v55 =	vcvt.s32.f32 v53;
	v27 =	vand.u32 $0x1, v53;
	v60 =	vtrunc.f32 v29  }
0x137: {  	v28 =	vcvt.f32.s32 v28;
	(erf) = vrcp.f32 v22;
	v22 =	vadd.f32 $5.000000000e-01, v46  }
0x138: {  	vm10 =	veq.s32 v27, $0x1;
	v62 =	vcvt.f32.s32 v60;
	v59 =	vadd.f32 $-1.000000000e+00, v55  }
0x139: {  	vm9 =	vlt.f32 v25, v55;
	v54 =	vcvt.s32.f32 v28;
	v47 =	vtrunc.f32 v22  }
0x13a: {  	v28 =	vand.u32 $0x1, v28;
	v27 =	vand.u32 $0x1, v62;
	v23 =	vcvt.f32.s32 v47  }
0x13b: {  	v30 =	vcvt.s32.f32 v62;
	vm11 =	veq.s32 v28, $0x1;
	vm14 =	veq.s32 v27, $0x1  }
0x13c: {  	v58 =	vadd.f32 $-1.000000000e+00, v54;
	vm8 =	vlt.f32 v24, v54;
	v50 =	vcvt.s32.f32 v23  }
0x13d: {  	v33 =	vadd.f32 $-1.000000000e+00, v30;
	vm13 =	vlt.f32 v29, v30;
	v23 =	vand.u32 $0x1, v23  }
0x13e: {  	vm3 =	veq.s32 v23, $0x1;
	v23 =	vsel vm9, v59, v55;
	v52 =	vadd.f32 $-1.000000000e+00, v50  }
0x13f: {  	v21 =	vadd.f32 $-1.000000000e+00, v21;
	vm1 =	vlt.f32 v22, v50;
	vm4 =	veq.f32 v23, v25  }
0x140: {  	v63 =	vadd.f32 $-1.000000000e+00, v23;
	v51 =	vpop (erf);
	v26 =	vsel vm1, v52, v50;
	vm1 =	vmxor vm1, vm3  }
0x141: {  	v21 =	vmul.f32 v51, v21;
	vm2 =	veq.f32 v26, v22;
	v22 =	vsel vm8, v58, v54  }
0x142: {  	v57 =	vadd.f32 $-1.000000000e+00, v26;
	vm1 =	vmand vm1, vm2;
	vm12 =	veq.f32 v22, v24  }
0x143: {  	v24 =	vsel vm13, v33, v30;
	v34 =	vadd.f32 $-1.000000000e+00, v22;
	vm2 =	vmxor vm13, vm14  }
0x144: {  	v26 =	vsel vm1, v57, v26;
	v61 =	vmul.f32 v21, v21;
	vm1 =	vmxor vm9, vm10  }
0x145: {  	vm15 =	veq.f32 v24, v29;
	v35 =	vadd.f32 $-1.000000000e+00, v24;
	vm1 =	vmand vm1, vm4  }
0x146: {  	vm2 =	vmand vm2, vm15;
	v23 =	vsel vm1, v63, v23;
	vm1 =	vmxor vm8, vm11  }
0x147: {  	v26 =	vmul.f32 $1.600000000e+01, v26;
	v32 =	vmul.f32 $1.111111120e-01, v61;
	vm1 =	vmand vm1, vm12  }
0x148: {  	v24 =	vsel vm2, v35, v24;
	v23 =	vmul.f32 $1.600000000e+01, v23;
	v22 =	vsel vm1, v34, v22  }
0x149: {  	v24 =	vmul.f32 $1.600000000e+01, v24;
	v22 =	vmul.f32 $1.600000000e+01, v22  }
0x14a: {  	v25 =	vadd.f32 $1.428571490e-01, v32;
	v36 =	vsub.f32 v23, v26  }
0x14b: {  	v37 =	vsub.f32 v24, v22  }
0x14c: {  	v25 =	vmul.f32 v25, v61;
	v38 =	vand.u32 $0x7FFFFFFF, v36  }
0x14d: {  	vm8 =	vgt.f32 v38, $9.999999970e-07;
	v39 =	vand.u32 $0x7FFFFFFF, v37  }
0x14e: {  	v25 =	vadd.f32 $2.000000030e-01, v25;
	v27 =	vnsel vm8, $0x3F800000, v36;
	vm9 =	vgt.f32 v39, $9.999999970e-07  }
0x14f: {  	(erf) = vrcp.f32 v27;
	v40 =	vnsel vm9, $0x3F800000, v37  }
0x150: {  	v25 =	vmul.f32 v25, v61;
	(erf) = vrcp.f32 v40;
	_ =	sdelay $0x1  }
0x151: {  	v20 =	vshrl.u32 v20, $0x17;
	v25 =	vadd.f32 $3.333333430e-01, v25  }
0x152: {  	v20 =	vand.u32 $0xFF, v20;
	v41 =	vsel vm0, $0x1, v5  }
0x153: {  	v20 =	vadd.s32 v41, v20;
	v25 =	vmul.f32 v25, v61  }
0x154: {  	v10 =	vld.idx.msk [tilespmem:v10+s7+$0x0], $0xffff;
	v20 =	vadd.s32 $0xFFFFFF81, v20  }
0x155: {  	v8 =	vld.idx.msk [tilespmem:v8+s7+$0x0], $0xffff;
	v20 =	vcvt.s32.f32 v20;
	v21 =	vadd.f32 v21, v21;
	v25 =	vadd.f32 $1.000000000e+00, v25  }
0x156: {  	v9 =	vld.idx.msk [tilespmem:v9+s7+$0x0], $0xffff;
	v42 =	vsub.f32 v16, v26;
	v47 =	vsub.f32 v14, v23  }
0x157: {  	v20 =	vmul.f32 $6.931471820e-01, v20;
	v44 =	vsub.f32 v17, v22;
	v21 =	vmul.f32 v25, v21;
	v43 =	vpop (erf)  }
0x158: {  	v7 =	vld.idx.msk [tilespmem:v7+s7+$0x0], $0xffff;
	v16 =	vmul.f32 v43, v42;
	v14 =	vmul.f32 v43, v47;
	v45 =	vpop (erf)  }
0x159: {  	v51 =	vsub.f32 v15, v24;
	v20 =	vadd.f32 v21, v20;
	v46 =	vmul.f32 v45, v44  }
0x15a: {  	v10 =	vsub.f32 v10, v16;
	v8 =	vsub.f32 v8, v14  }
0x15b: {  	v48 =	vadd.f32 v20, v18;
	v54 =	vmul.f32 v45, v51;
	v9 =	vsub.f32 v9, v46  }
0x15c: {  	v49 =	vmul.f32 $5.000000000e-01, v10;
	v50 =	vand.u32 $0x7FFFFFFF, v10;
	v57 =	vmul.f32 $5.000000000e-01, v8  }
0x15d: {  	v7 =	vsub.f32 v7, v54;
	v58 =	vand.u32 $0x7FFFFFFF, v8;
	v52 =	vmul.f32 $5.000000000e-01, v9  }
0x15e: {  	vm10 =	vlt.f32 v50, $1.000000000e+00;
	v55 =	vadd.f32 $-5.000000000e-01, v50;
	v53 =	vand.u32 $0x7FFFFFFF, v9  }
0x15f: {  	v10 =	vmul.f32 v49, v10;
	v56 =	vadd.f32 $-5.000000000e-01, v53;
	v9 =	vmul.f32 v52, v9  }
0x160: {  	v59 =	vadd.f32 $-5.000000000e-01, v58;
	v8 =	vmul.f32 v57, v8;
	vm11 =	vlt.f32 v53, $1.000000000e+00  }
0x161: {  	v60 =	vmul.f32 $5.000000000e-01, v7;
	v10 =	vsel vm10, v10, v55;
	v9 =	vsel vm11, v9, v56  }
0x162: {  	vm12 =	vlt.f32 v58, $1.000000000e+00;
	v61 =	vand.u32 $0x7FFFFFFF, v7;
	v9 =	vadd.f32 v9, v10  }
0x163: {  	s10 =	sadd.s32 $0x1, s10;
	v62 =	vadd.f32 $-5.000000000e-01, v61;
	v8 =	vsel vm12, v8, v59;
	v7 =	vmul.f32 v60, v7  }
0x164: {  	p0 =	sne.s32 s10, $0x8;
	vm13 =	vlt.f32 v61, $1.000000000e+00;
	v8 =	vadd.f32 v8, v9  }
.Ltmp3:
0x165: {  	vm14 =	vgt.f32 v12, $6.999999880e-01;
	v63 =	vsub.f32 v48, v13;
	v7 =	vsel vm13, v7, v62;
	(pc) =	sbr.rel @p0 .LBB2_1-.Ltmp3, $4  }
0x166: {  	vm15 =	veq.s32 v19, v11;
	v7 =	vadd.f32 v7, v8;
	v8 =	vsel vm14, $0x3F800000, v3  }
0x167: {  	vm0 =	vmand vm14, vm15;
	v6 =	vadd.f32 v8, v6;
	v8 =	vnsel vm14, $0x0, v63  }
0x168: {  	v2 =	vadd.f32 v8, v2;
	v8 =	vsel vm0, $0x3F800000, v3;
	v7 =	vnsel vm14, $0x0, v7  }
0x169: {  	v1 =	vadd.f32 v8, v1;
	v0 =	vadd.f32 v7, v0  }
0x16a: {  	s6 =	sadd.s32 $0x800, s4  }
0x16b: {  	[tilespmem:$0x2E00] =	vst v6;
	s9 =	simm.s32 $0x2E00;
	s5 =	sadd.s32 s3, s6  }
0x16c: {  	[spmem:s5] =	stream.linear.scatter [tilespmem:s9], [sflag:$0x2], $0x80, $0x38;
	[tilespmem:$0x4F50] =	vst v63  }
0x16d: {  	s5 =	simm.s32 $0x2  }
0x16e: {  	_ =	swait.ge [sflag:s5], $0x80  }
0x16f: {  	[sflag:s5] =	ssyncset.done $0x0  }
0x170: {  	s7 =	sadd.s32 $0x1000, s4;
	[sflag:s5] =	ssyncadd.s32 $0xFFFFFF80  }
0x171: {  	s8 =	sadd.s32 s3, s7;
	[tilespmem:$0x2E00] =	vst v2  }
0x172: {  	[spmem:s8] =	stream.linear.scatter [tilespmem:s9], [sflag:$0x2], $0x80, $0x38;
	[tilespmem:$0x4F50] =	vst v63  }
0x173: {  	_ =	swait.ge [sflag:s5], $0x80  }
0x174: {  	[sflag:s5] =	ssyncset.done $0x0  }
0x175: {  	s8 =	sadd.s32 $0x1800, s4;
	[sflag:s5] =	ssyncadd.s32 $0xFFFFFF80  }
0x176: {  	s10 =	sadd.s32 s3, s8;
	[tilespmem:$0x2E00] =	vst v1  }
0x177: {  	[spmem:s10] =	stream.linear.scatter [tilespmem:s9], [sflag:$0x2], $0x80, $0x38;
	[tilespmem:$0x4F50] =	vst v63  }
0x178: {  	_ =	swait.ge [sflag:s5], $0x80  }
0x179: {  	[sflag:s5] =	ssyncset.done $0x0  }
0x17a: {  	s4 =	sadd.s32 $0x2000, s4;
	[sflag:s5] =	ssyncadd.s32 $0xFFFFFF80  }
0x17b: {  	s31 =	sadd.s32 s3, s4;
	[tilespmem:$0x2E00] =	vst v0  }
0x17c: {  	[spmem:s31] =	stream.linear.scatter [tilespmem:s9], [sflag:$0x2], $0x80, $0x38;
	[tilespmem:$0x4F50] =	vst v63  }
0x17d: {  	_ =	swait.ge [sflag:s5], $0x80  }
0x17e: {  	[sflag:s5] =	ssyncset.done $0x0  }
0x17f: {  	[sflag:s5] =	ssyncadd.s32 $0xFFFFFF80  }
0x180: {  	p0 =	sne.s32 s2, $0x0;
	[bflag:$0x0] =	sbarrier.arrive $0xFFFF  }
0x181: {  	_ =	sfence.sel @p0 $0x180000  }
0x182: {  	[bflag:$0x0] =	sbarrier.arrive @p0 $0xFFFF  }
0x183: {  	_ =	strace @p0 $0x90000047  }
0x184: {  	[bflag:$0x2] =	sbarrier.arrive @p0 $0xFFFF  }
0x185: {  	_ =	shalt @p0  }
.LBB2_9:
0x186: {  	s2 =	simm.s32 $0x2E80;
	s26 =	simm.s32 $0x1  }
0x187: {  	[tilespmem:s2], [sflag:$0x1] =	stream.linear.gather [spmem:s6], $0x800, $0x38;
	[tilespmem:$0x4F50] =	vst v63  }
0x188: {  	_ =	swait.ge [sflag:s26], $0x800  }
0x189: {  	[sflag:s26] =	ssyncset.done $0x0  }
0x18a: {  	s3 =	simm.s32 $0x3680;
	[sflag:s26] =	ssyncadd.s32 $0xFFFFF800  }
0x18b: {  	[tilespmem:s3], [sflag:$0x1] =	stream.linear.gather [spmem:s7], $0x800, $0x38;
	[tilespmem:$0x4F50] =	vst v63  }
0x18c: {  	_ =	swait.ge [sflag:s26], $0x800  }
0x18d: {  	[sflag:s26] =	ssyncset.done $0x0  }
0x18e: {  	s28 =	simm.s32 $0x3E80;
	[sflag:s26] =	ssyncadd.s32 $0xFFFFF800  }
0x18f: {  	[tilespmem:s28], [sflag:$0x1] =	stream.linear.gather [spmem:s8], $0x800, $0x38;
	[tilespmem:$0x4F50] =	vst v63  }
0x190: {  	_ =	swait.ge [sflag:s26], $0x800  }
0x191: {  	[sflag:s26] =	ssyncset.done $0x0  }
0x192: {  	s29 =	simm.s32 $0x4680;
	[sflag:s26] =	ssyncadd.s32 $0xFFFFF800  }
0x193: {  	[tilespmem:s29], [sflag:$0x1] =	stream.linear.gather [spmem:s4], $0x800, $0x38;
	[tilespmem:$0x4F50] =	vst v63  }
0x194: {  	_ =	swait.ge [sflag:s26], $0x800  }
0x195: {  	[sflag:s26] =	ssyncset.done $0x0  }
0x196: {  	[sflag:s26] =	ssyncadd.s32 $0xFFFFF800  }
0x197: {  	v0 =	vld [tilespmem:$0x2E80]  }
0x198: {  	v1 =	vld [tilespmem:$0x2F00]  }
0x199: {  	v2 =	vld [tilespmem:$0x2F80]  }
0x19a: {  	v3 =	vld [tilespmem:$0x3000]  }
0x19b: {  	v4 =	vld [tilespmem:$0x3080]  }
0x19c: {  	v5 =	vld [tilespmem:$0x3100]  }
0x19d: {  	v6 =	vld [tilespmem:$0x3180]  }
0x19e: {  	v7 =	vld [tilespmem:$0x3200]  }
0x19f: {  	v8 =	vld [tilespmem:$0x3280]  }
0x1a0: {  	v9 =	vld [tilespmem:$0x3300]  }
0x1a1: {  	v10 =	vld [tilespmem:$0x3380]  }
0x1a2: {  	v11 =	vld [tilespmem:$0x3400]  }
0x1a3: {  	v12 =	vld [tilespmem:$0x3480]  }
0x1a4: {  	v13 =	vld [tilespmem:$0x3500]  }
0x1a5: {  	v14 =	vld [tilespmem:$0x3580]  }
0x1a6: {  	v15 =	vld [tilespmem:$0x3680]  }
0x1a7: {  	v16 =	vld [tilespmem:$0x3700]  }
0x1a8: {  	v17 =	vld [tilespmem:$0x3780]  }
0x1a9: {  	v18 =	vld [tilespmem:$0x3800]  }
0x1aa: {  	v19 =	vld [tilespmem:$0x3880]  }
0x1ab: {  	v20 =	vld [tilespmem:$0x3900]  }
0x1ac: {  	v21 =	vld [tilespmem:$0x3980]  }
0x1ad: {  	v22 =	vld [tilespmem:$0x3A00]  }
0x1ae: {  	v23 =	vld [tilespmem:$0x3A80]  }
0x1af: {  	v24 =	vld [tilespmem:$0x3B00]  }
0x1b0: {  	v25 =	vld [tilespmem:$0x3B80]  }
0x1b1: {  	v26 =	vld [tilespmem:$0x3C00]  }
0x1b2: {  	v27 =	vld [tilespmem:$0x3C80]  }
0x1b3: {  	v28 =	vld [tilespmem:$0x3D00]  }
0x1b4: {  	v29 =	vld [tilespmem:$0x3D80]  }
0x1b5: {  	v30 =	vld [tilespmem:$0x3E00]  }
0x1b6: {  	v31 =	vld [tilespmem:$0x4680]  }
0x1b7: {  	v32 =	vld [tilespmem:$0x3E80]  }
0x1b8: {  	v33 =	vld [tilespmem:$0x4700]  }
0x1b9: {  	v34 =	vld [tilespmem:$0x3F00]  }
0x1ba: {  	v35 =	vld [tilespmem:$0x4780];
	v15 =	vadd.f32 $0.0e+00, v15  }
0x1bb: {  	v36 =	vld [tilespmem:$0x3F80];
	v31 =	vadd.f32 $0.0e+00, v31  }
0x1bc: {  	v37 =	vld [tilespmem:$0x4800];
	v32 =	vadd.f32 $0.0e+00, v32;
	v15 =	vadd.f32 v16, v15  }
0x1bd: {  	v60 =	vld [tilespmem:$0x4000];
	v0 =	vadd.f32 $0.0e+00, v0;
	v31 =	vadd.f32 v33, v31  }
0x1be: {  	v61 =	vld [tilespmem:$0x4880];
	v32 =	vadd.f32 v34, v32;
	v15 =	vadd.f32 v17, v15  }
0x1bf: {  	v62 =	vld [tilespmem:$0x4080];
	v0 =	vadd.f32 v1, v0;
	v31 =	vadd.f32 v35, v31  }
0x1c0: {  	v63 =	vld [tilespmem:$0x4900];
	v32 =	vadd.f32 v36, v32;
	v15 =	vadd.f32 v18, v15  }
0x1c1: {  	v34 =	vld [tilespmem:$0x4100];
	v0 =	vadd.f32 v2, v0;
	v31 =	vadd.f32 v37, v31  }
0x1c2: {  	v35 =	vld [tilespmem:$0x4980];
	v16 =	vadd.f32 v60, v32;
	v15 =	vadd.f32 v19, v15  }
0x1c3: {  	v36 =	vld [tilespmem:$0x4180];
	v0 =	vadd.f32 v3, v0;
	v31 =	vadd.f32 v61, v31  }
0x1c4: {  	v37 =	vld [tilespmem:$0x4A00];
	v16 =	vadd.f32 v62, v16;
	v15 =	vadd.f32 v20, v15  }
0x1c5: {  	v38 =	vld [tilespmem:$0x4200];
	v0 =	vadd.f32 v4, v0;
	v1 =	vadd.f32 v63, v31  }
0x1c6: {  	v39 =	vld [tilespmem:$0x4A80];
	v16 =	vadd.f32 v34, v16;
	v15 =	vadd.f32 v21, v15  }
0x1c7: {  	v40 =	vld [tilespmem:$0x4280];
	v0 =	vadd.f32 v5, v0;
	v1 =	vadd.f32 v35, v1  }
0x1c8: {  	v41 =	vld [tilespmem:$0x4B00];
	v42 =	vadd.f32 v36, v16;
	v15 =	vadd.f32 v22, v15  }
0x1c9: {  	v43 =	vld [tilespmem:$0x4300];
	v0 =	vadd.f32 v6, v0;
	v1 =	vadd.f32 v37, v1  }
0x1ca: {  	v44 =	vld [tilespmem:$0x4B80];
	v5 =	vadd.f32 v38, v42;
	v45 =	vadd.f32 v23, v15  }
0x1cb: {  	v46 =	vld [tilespmem:$0x4380];
	v0 =	vadd.f32 v7, v0;
	v1 =	vadd.f32 v39, v1  }
0x1cc: {  	v47 =	vld [tilespmem:$0x4C00];
	v5 =	vadd.f32 v40, v5;
	v6 =	vadd.f32 v24, v45  }
0x1cd: {  	v48 =	vld [tilespmem:$0x4400];
	v0 =	vadd.f32 v8, v0;
	v1 =	vadd.f32 v41, v1  }
0x1ce: {  	v49 =	vld [tilespmem:$0x4C80];
	v5 =	vadd.f32 v43, v5;
	v6 =	vadd.f32 v25, v6  }
0x1cf: {  	v50 =	vld [tilespmem:$0x4480];
	v0 =	vadd.f32 v9, v0;
	v1 =	vadd.f32 v44, v1  }
0x1d0: {  	v51 =	vld [tilespmem:$0x4D00];
	v5 =	vadd.f32 v46, v5;
	v6 =	vadd.f32 v26, v6  }
0x1d1: {  	v52 =	vld [tilespmem:$0x4500];
	v0 =	vadd.f32 v10, v0;
	v1 =	vadd.f32 v47, v1  }
0x1d2: {  	v53 =	vld [tilespmem:$0x4D80];
	v5 =	vadd.f32 v48, v5;
	v6 =	vadd.f32 v27, v6  }
0x1d3: {  	v54 =	vld [tilespmem:$0x4580];
	v0 =	vadd.f32 v11, v0;
	v1 =	vadd.f32 v49, v1  }
0x1d4: {  	v55 =	vld [tilespmem:$0x4E00];
	v5 =	vadd.f32 v50, v5;
	v6 =	vadd.f32 v28, v6  }
0x1d5: {  	v56 =	vld [tilespmem:$0x4600];
	v0 =	vadd.f32 v12, v0;
	v1 =	vadd.f32 v51, v1  }
0x1d6: {  	v57 =	vld [tilespmem:$0x3600];
	v5 =	vadd.f32 v52, v5;
	v6 =	vadd.f32 v29, v6  }
0x1d7: {  	v0 =	vadd.f32 v13, v0;
	v1 =	vadd.f32 v53, v1  }
0x1d8: {  	v58 =	vadd.f32 v54, v5;
	v59 =	vadd.f32 v30, v6  }
0x1d9: {  	v0 =	vadd.f32 v14, v0;
	v1 =	vadd.f32 v55, v1  }
0x1da: {  	v60 =	vadd.f32 v56, v58;
	(xrf2) =	vadd.scan.msk.f32 $0xffff, v59  }
0x1db: {  	v0 =	vadd.f32 v57, v0;
	(xrf2) =	vadd.scan.msk.f32 $0xffff, v1  }
0x1dc: {  	(xrf2) =	vadd.scan.msk.f32 $0xffff, v60  }
0x1dd: {  	(xrf2) =	vadd.scan.msk.f32 $0xffff, v0;
	_ =	sdelay $0x6  }
0x1de: {  	v61, _, _ =	vpop (xrf2)  }
0x1df: {  	v1, _, _ =	vpop (xrf2)  }
0x1e0: {  	v2, _, _ =	vpop (xrf2)  }
0x1e1: {  	v62, _, _ =	vpop (xrf2)  }
0x1e2: {  	v3 =	vadd.f32 $0.0e+00, v62;
	_ =	sdelay $0x1  }
0x1e3: {  	v3 =	vmax.f32 v3, $1.000000000e+00  }
0x1e4: {  	v3 =	vbroadcast v3, $0xF;
	_ =	sdelay $0x1  }
0x1e5: {  	(erf) = vrcp.f32 v3;
	_ =	sdelay $0x4  }
0x1e6: {  	v2 =	vbroadcast v2, $0xF  }
0x1e7: {  	vm0 =	vcmask $0xB08;
	v1 =	vbroadcast v1, $0xF  }
0x1e8: {  	vm14 =	vcmask $0x3F08;
	v0 =	vbroadcast v61, $0xF;
	v2 =	vnsel vm0, $0x0, v2  }
0x1e9: {  	vm15 =	vcmask $0x3F04;
	v1 =	vsel vm14, v2, v1  }
0x1ea: {  	v0 =	vsel vm15, v1, v0;
	v63 =	vpop (erf)  }
0x1eb: {  	v0 =	vmul.f32 v0, v63;
	_ =	sdelay $0x1  }
0x1ec: {  	s30 =	simm.s32 $0x0;
	s31 =	simm.s32 $0x4E80;
	[tilespmem:$0x4E80] =	vst v0  }
0x1ed: {  	[hbm4b:s1+s30] =	stream.linear.scatter [tilespmem:s31], [sflag:$0x2], $0x80, $0x38;
	[tilespmem:$0x4F50] =	vst v63  }
0x1ee: {  	_ =	swait.ge [sflag:s5], $0x80  }
0x1ef: {  	[sflag:s5] =	ssyncset.done $0x0  }
0x1f0: {  	[sflag:s5] =	ssyncadd.s32 $0xFFFFFF80  }
0x1f1: {  	_ =	sfence.sel $0x180000  }
0x1f2: {  	[bflag:$0x0] =	sbarrier.arrive $0xFFFF  }
0x1f3: {  	_ =	strace $0x90000047  }
0x1f4: {  	s0 =	sadd.s32 $0x100000, s0;
	[bflag:$0x2] =	sbarrier.arrive $0xFFFF  }
0x1f5: {  	[sflag:s0] =	ssyncadd.tile.s32 $0x1;
	_ =	shalt  }
.Lfunc_end2:
_tile_overlayer_lowered:
.L_overlay_start_2:
0x1f6: {  	(tag) =	ssettag $0x2  }
0x1f7: {  	s0 =	rddreg [dreg:$0x0];
	s2 =	stileid.u32  }
0x1f8: {  	s1 =	rddreg [dreg:$0x1];
	p0 =	sne.s32 s2, $0x0  }
0x1f9: {  	s3 =	rddreg [dreg:$0x2];
	[bflag:$0x3] =	sbarrier.arrive $0xFFFF;
	s2 =	simm.s32 @!p0 $0x1C02  }
0x1fa: {  	[timem:s3], [sflag:s2] =	dma.local @!p0 [hbm:s0], s1  }
0x1fb: {  	s0 =	simm.s32 @!p0 $0x2  }
0x1fc: {  	_ =	swait.ge @!p0 [sflag:s0], s1  }
0x1fd: {  	s1 =	ssub.s32 @!p0 $0x0, s1;
	[sflag:s0] =	ssyncset.done @!p0 $0x0  }
0x1fe: {  	[sflag:s0] =	ssyncadd.s32 @!p0 s1  }
0x1ff: {  	[bflag:$0x3] =	sbarrier.arrive $0xFFFF  }
0x200: {  	_ =	shalt  }

</sc_bundles>
